<compile_context>
chip_gen: v7x
topology: tpu7x:2x2x1
jax: 0.10.2.dev20260603
libtpu: 0.0.44.dev20260713+nightly
codegen_flags: <defaults>
</compile_context>

<pallas_src>
import jax
import jax.numpy as jnp
import numpy as np
from jax import lax
from jax.experimental import pallas as pl
from jax.experimental.pallas import tpu as pltpu
from jax.experimental.pallas import tpu_sc as plsc

_S = 64
_S3 = _S ** 3
_WREG = 25.0
_B = 16
_N = 16384
_P = 3
_NC = 2
_NS = 16
_NW = _NC * _NS
_HP = 96
_HPN = (_P * _B * _N) // _HP
_C = 2048
_K = _C // 128
_G = _C // 16
_CHUNKS = 12

_PIDX = (np.arange(_B * _N, dtype=np.int32)[None, :] * 3
         + np.arange(3, dtype=np.int32)[:, None]).reshape(-1)


def _vsqrt(s, bitb):
  bitb[0] = s
  i = bitb.bitcast(jnp.int32)[0]
  bitb.bitcast(jnp.int32)[0] = jnp.int32(0x5F3759DF) - (i >> 1)
  y = bitb[0]
  y = y * (1.5 - 0.5 * s * y * y)
  y = y * (1.5 - 0.5 * s * y * y)
  y = y * (1.5 - 0.5 * s * y * y)
  return s * y


def _sc_body(pts, pidx, params, regp, aux, vox, out,
             xb, yb, zb, rxb, ryb, rzb, ixb, iyb, izb, ivb,
             txb, tyb, tzb, voxb, pbuf, rbuf, accb, bitb, sem):
  wid = lax.axis_index("s") * _NC + lax.axis_index("c")

  def chunk(u, acc):
    t = u // 4
    c = u % 4
    h = wid + _NW * t
    pair = h // 2
    half = h % 2
    b = pair % _B
    n0 = half * _HPN + c * _C
    pltpu.sync_copy(params.at[pair], pbuf)
    nx = pbuf[0]
    ny = pbuf[1]
    nz = pbuf[2]
    off = pbuf[3]
    s2 = 2.0 / (nx * nx + ny * ny + nz * nz)
    q0 = b * _N + n0
    pltpu.sync_copy(pidx.at[pl.ds(q0, _C)], ixb)
    pltpu.sync_copy(pidx.at[pl.ds(_B * _N + q0, _C)], iyb)
    pltpu.sync_copy(pidx.at[pl.ds(2 * _B * _N + q0, _C)], izb)
    px = pltpu.async_copy(pts.at[ixb], xb, sem)
    py = pltpu.async_copy(pts.at[iyb], yb, sem)
    pz = pltpu.async_copy(pts.at[izb], zb, sem)
    px.wait()
    py.wait()
    pz.wait()
    rowbase = b * _S3

    def grp(g, _):
      o = pl.multiple_of(g * 16, 16)
      x = xb[pl.ds(o, 16)]
      y = yb[pl.ds(o, 16)]
      z = zb[pl.ds(o, 16)]
      d = (x * nx + y * ny + z * nz + off) * s2
      rx = x - d * nx
      ry = y - d * ny
      rz = z - d * nz
      rxb[pl.ds(o, 16)] = rx
      ryb[pl.ds(o, 16)] = ry
      rzb[pl.ds(o, 16)] = rz
      fx = jnp.clip((rx + 0.5) * 64.0, -1.0, 64.0)
      fy = jnp.clip((ry + 0.5) * 64.0, -1.0, 64.0)
      fz = jnp.clip((rz + 0.5) * 64.0, -1.0, 64.0)
      ix = jnp.clip(fx.astype(jnp.int32), 0, _S - 1)
      iy = jnp.clip(fy.astype(jnp.int32), 0, _S - 1)
      iz = jnp.clip(fz.astype(jnp.int32), 0, _S - 1)
      gi = (ix * _S + iy) * _S + iz + rowbase
      gi3 = gi * 3
      ixb[pl.ds(o, 16)] = gi3
      iyb[pl.ds(o, 16)] = gi3 + 1
      izb[pl.ds(o, 16)] = gi3 + 2
      ivb[pl.ds(o, 16)] = gi
      return 0

    lax.fori_loop(0, _G, grp, 0)

    cx = pltpu.async_copy(aux.at[ixb], txb, sem)
    cy = pltpu.async_copy(aux.at[iyb], tyb, sem)
    cz = pltpu.async_copy(aux.at[izb], tzb, sem)
    cv = pltpu.async_copy(vox.at[ivb], voxb, sem)
    cx.wait()
    cy.wait()
    cz.wait()
    cv.wait()

    def dst(g, a):
      o = pl.multiple_of(g * 16, 16)
      vv = voxb[pl.ds(o, 16)]
      dx = rxb[pl.ds(o, 16)] - txb[pl.ds(o, 16)] + 1e-6
      dy = ryb[pl.ds(o, 16)] - tyb[pl.ds(o, 16)] + 1e-6
      dz = rzb[pl.ds(o, 16)] - tzb[pl.ds(o, 16)] + 1e-6
      return a + _vsqrt(dx * dx + dy * dy + dz * dz, bitb) * (1.0 - vv)

    return lax.fori_loop(0, _G, dst, acc)

  acc = lax.fori_loop(0, _CHUNKS, chunk, jnp.zeros((16,), jnp.float32))

  @pl.when(wid == 0)
  def _():
    pltpu.sync_copy(regp, rbuf)
    n = [[rbuf[i, j] for j in range(3)] for i in range(3)]
    linv = []
    for i in range(3):
      li = n[i][0] * n[i][0] + n[i][1] * n[i][1] + n[i][2] * n[i][2]
      linv.append(1.0 / jnp.maximum(li, 1e-24))
    reg = jnp.zeros((16,), jnp.float32)
    for i in range(3):
      di = n[i][i] * n[i][i] * linv[i] - 1.0
      reg = reg + di * di
      for j in range(i + 1, 3):
        q = n[i][j] * n[j][i]
        reg = reg + 2.0 * q * q * (linv[i] * linv[j])
    accb[...] = (acc + _WREG * reg) * (1.0 / _B)

  @pl.when(wid != 0)
  def _():
    accb[...] = acc * (1.0 / _B)

  pltpu.sync_copy(accb, out.at[wid])


@jax.jit
def _sc_loss(pts, pidx, params, regp, aux, vox):
  mesh = plsc.VectorSubcoreMesh(core_axis_name="c", subcore_axis_name="s")
  f = pl.kernel(
      _sc_body,
      out_type=jax.ShapeDtypeStruct((_NW, 16), jnp.float32),
      mesh=mesh,
      scratch_types=[
          pltpu.VMEM((_C,), jnp.float32),
          pltpu.VMEM((_C,), jnp.float32),
          pltpu.VMEM((_C,), jnp.float32),
          pltpu.VMEM((_C,), jnp.float32),
          pltpu.VMEM((_C,), jnp.float32),
          pltpu.VMEM((_C,), jnp.float32),
          pltpu.VMEM((_C,), jnp.int32),
          pltpu.VMEM((_C,), jnp.int32),
          pltpu.VMEM((_C,), jnp.int32),
          pltpu.VMEM((_C,), jnp.int32),
          pltpu.VMEM((_C,), jnp.float32),
          pltpu.VMEM((_C,), jnp.float32),
          pltpu.VMEM((_C,), jnp.float32),
          pltpu.VMEM((_C,), jnp.float32),
          pltpu.VMEM((4, 16), jnp.float32),
          pltpu.VMEM((3, 4, 16), jnp.float32),
          pltpu.VMEM((16,), jnp.float32),
          pltpu.VMEM((1, 16), jnp.float32),
          pltpu.SemaphoreType.DMA,
      ],
  )
  return f(pts, pidx, params, regp, aux, vox)


def kernel(point_cloud, auxiliary_data, voxel_data, predicted_planes):
  pts = point_cloud.reshape(_B * _N * 3)
  params = jnp.broadcast_to(
      predicted_planes.reshape(_P * _B, 4)[:, :, None], (_P * _B, 4, 16))
  regp = jnp.transpose(predicted_planes, (0, 2, 1))
  aux = auxiliary_data.reshape(_B * _S3 * 3)
  vox = voxel_data.reshape(_B * _S3)
  out = _sc_loss(pts, jnp.asarray(_PIDX), params, regp, aux, vox)
  return jnp.sum(out)

# --- scband reference (transcript-rebuilt; emitter-appended) ---
"""Pipeline reference for scband-loss-func-16338055594676 (READ-ONLY COPY).

The authoritative reference and input builder live on the scoring server;
editing this copy changes nothing except your own understanding.
"""

import jax, jax.numpy as jnp
import numpy as np

VOXEL_RES = 64
WEIGHT_REG = 25.0


def setup_inputs(seed: int = 0) -> dict:
    key = jax.random.key(seed)
    k1, k2, k3, k4 = jax.random.split(key, 4)
    B, N, S = 16, 16384, VOXEL_RES
    point_cloud = jax.random.uniform(k1, (B, N, 3), dtype=jnp.float32)
    auxiliary_data = jax.random.uniform(k2, (B, S ** 3, 3), dtype=jnp.float32)
    voxel_data = jax.random.uniform(k3, (B, S ** 3, 1), dtype=jnp.float32)
    predicted_planes = jax.random.normal(k4, (3, B, 4), dtype=jnp.float32)
    return {
        "point_cloud": point_cloud,
        "auxiliary_data": auxiliary_data,
        "voxel_data": voxel_data,
        "predicted_planes": predicted_planes,
    }


def _tran_plane(plane, points):
    # plane: [B, 4], points: [B, N, 3]
    nvec = plane[:, 0:3]                                   # [B, 3]
    len_norm = jnp.linalg.norm(nvec, axis=1)               # [B]
    d = (jnp.sum(points * nvec[:, None, :], axis=2) + plane[:, 3][:, None]) / (len_norm ** 2)[:, None]  # [B, N]
    return points - 2.0 * d[:, :, None] * nvec[:, None, :]


def _get_point_cells(points, size):
    bound = 0.5
    res = ((points + bound) * size).astype(jnp.int32)       # trunc toward zero, same as .long()
    res = jnp.clip(res, 0, size - 1)
    return jax.lax.stop_gradient(res)


def _sym_loss(points, auxiliary_data, voxel_data, size):
    B, N = points.shape[0], points.shape[1]
    idx = _get_point_cells(points, size)                    # [B, N, 3]
    g_idx = idx[:, :, 0] * size * size + idx[:, :, 1] * size + idx[:, :, 2]  # [B, N]
    vv = jnp.take_along_axis(voxel_data.reshape(B, size ** 3, -1), g_idx[:, :, None], axis=1)  # [B, N, 1]
    vv = 1.0 - vv
    idx3 = jnp.broadcast_to(g_idx[:, :, None], (B, N, 3))
    target = jnp.take_along_axis(auxiliary_data.reshape(B, size ** 3, 3), idx3, axis=1)         # [B, N, 3]
    # torch pairwise_distance: ||x1 - x2 + eps||_2 with eps=1e-6
    dist = jnp.linalg.norm(points - target + 1e-6, axis=-1) * vv[:, :, 0]
    return jnp.sum(dist) / B


def _reg_loss(planes):
    # planes: [P=3, B, 4]
    B = planes.shape[1]
    nv = planes[:, :, 0:3]
    nv = nv / jnp.clip(jnp.linalg.norm(nv, axis=2, keepdims=True), 1e-12, None)  # F.normalize
    nv = jnp.transpose(nv, (1, 0, 2))                      # [B, 3, 3]
    m = nv * jnp.swapaxes(nv, 1, 2) - jnp.eye(3, dtype=nv.dtype)
    return jnp.sum(m * m) / B                              # ||.||_F ** 2 / batch


def reference(point_cloud, auxiliary_data, voxel_data, predicted_planes):
    size = VOXEL_RES
    reg = _reg_loss(predicted_planes)
    sym = jnp.zeros((), dtype=point_cloud.dtype)
    for i in range(predicted_planes.shape[0]):
        pts = _tran_plane(predicted_planes[i], point_cloud)
        sym = sym + _sym_loss(pts, auxiliary_data, voxel_data, size)
    return sym + WEIGHT_REG * reg

if __name__ == "__main__":
    import jax
    _d = setup_inputs()
    print(jax.jit(kernel)(*tuple(_d.values())))

</pallas_src>

<mosaic_0001>
#map = affine_map<(d0, d1) -> (0)>
#map1 = affine_map<(d0, d1) -> (0, 0, 0)>
#map2 = affine_map<(d0, d1) -> (0, 0)>
module attributes {stable_mosaic.version = 14 : i64} {
  func.func @_sc_body(%arg0: i32, %arg1: i32, %arg2: memref<786432xf32, #tpu.memory_space<hbm>>, %arg3: memref<786432xi32, #tpu.memory_space<hbm>>, %arg4: memref<48x4x16xf32, #tpu.memory_space<hbm>>, %arg5: memref<3x4x16xf32, #tpu.memory_space<hbm>>, %arg6: memref<12582912xf32, #tpu.memory_space<hbm>>, %arg7: memref<4194304xf32, #tpu.memory_space<hbm>>, %arg8: memref<32x16xf32, #tpu.memory_space<hbm>>, %arg9: memref<2048xf32, #tpu.memory_space<vmem>>, %arg10: memref<2048xf32, #tpu.memory_space<vmem>>, %arg11: memref<2048xf32, #tpu.memory_space<vmem>>, %arg12: memref<2048xf32, #tpu.memory_space<vmem>>, %arg13: memref<2048xf32, #tpu.memory_space<vmem>>, %arg14: memref<2048xf32, #tpu.memory_space<vmem>>, %arg15: memref<2048xi32, #tpu.memory_space<vmem>>, %arg16: memref<2048xi32, #tpu.memory_space<vmem>>, %arg17: memref<2048xi32, #tpu.memory_space<vmem>>, %arg18: memref<2048xi32, #tpu.memory_space<vmem>>, %arg19: memref<2048xf32, #tpu.memory_space<vmem>>, %arg20: memref<2048xf32, #tpu.memory_space<vmem>>, %arg21: memref<2048xf32, #tpu.memory_space<vmem>>, %arg22: memref<2048xf32, #tpu.memory_space<vmem>>, %arg23: memref<4x16xf32, #tpu.memory_space<vmem>>, %arg24: memref<3x4x16xf32, #tpu.memory_space<vmem>>, %arg25: memref<16xf32, #tpu.memory_space<vmem>>, %arg26: memref<1x16xf32, #tpu.memory_space<vmem>>, %arg27: memref<!tpu.dma_semaphore, #tpu.memory_space<semaphore_mem>>) attributes {dimension_semantics = [#tpu.dimension_semantics<core_parallel>, #tpu.dimension_semantics<subcore_parallel>], iteration_bounds = array<i64: 2, 16>, scalar_prefetch = 0 : i64, scratch_operands = 19 : i64, tpu.core_type = #tpu.core_type<sc_vector_subcore>, window_params = [{transform_indices = #map}, {transform_indices = #map}, {transform_indices = #map1}, {transform_indices = #map1}, {transform_indices = #map}, {transform_indices = #map}, {transform_indices = #map2}]} {
    %mul3A = arith.constant 2 : i32
    %mul3A_0 = arith.muli %arg1, %mul3A : i32
    %add3A = arith.addi %mul3A_0, %arg0 : i32
    %broadcast_in_dim3A = arith.constant 0.000000e+00 : f32
    %broadcast_in_dim3A_1 = vector.broadcast %broadcast_in_dim3A : f32 to vector<16xf32>
    %scan3A = arith.constant 0 : i32
    %scan3A_2 = arith.constant 12 : i32
    %scan3A_3 = arith.addi %scan3A, %scan3A_2 : i32
    %scan3A_4 = arith.constant 1 : i32
    %scan3A_5 = scf.for %scan3A_13 = %scan3A to %scan3A_3 step %scan3A_4 iter_args(%scan3A_14 = %broadcast_in_dim3A_1) -> (vector<16xf32>)  : i32 {
      %jit3A = arith.constant 4 : i32
      %div3A = arith.divsi %scan3A_13, %jit3A : i32
      %sign3A = arith.constant 0 : i32
      %sign3A_15 = arith.cmpi sgt, %scan3A_13, %sign3A : i32
      %sign3A_16 = arith.extui %sign3A_15 : i1 to i32
      %sign3A_17 = arith.constant 0 : i32
      %sign3A_18 = arith.cmpi slt, %scan3A_13, %sign3A_17 : i32
      %sign3A_19 = arith.extui %sign3A_18 : i1 to i32
      %sign3A_20 = arith.subi %sign3A_16, %sign3A_19 : i32
      %sign3A_21 = arith.constant 0 : i32
      %sign3A_22 = arith.cmpi sgt, %jit3A, %sign3A_21 : i32
      %sign3A_23 = arith.extui %sign3A_22 : i1 to i32
      %sign3A_24 = arith.constant 0 : i32
      %sign3A_25 = arith.cmpi slt, %jit3A, %sign3A_24 : i32
      %sign3A_26 = arith.extui %sign3A_25 : i1 to i32
      %sign3A_27 = arith.subi %sign3A_23, %sign3A_26 : i32
      %ne3A_28 = arith.cmpi ne, %sign3A_20, %sign3A_27 : i32
      %rem3A = arith.remsi %scan3A_13, %jit3A : i32
      %ne3A_29 = arith.constant 0 : i32
      %ne3A_30 = arith.cmpi ne, %rem3A, %ne3A_29 : i32
      %and3A = arith.andi %ne3A_28, %ne3A_30 : i1
      %sub3A = arith.constant 1 : i32
      %sub3A_31 = arith.subi %div3A, %sub3A : i32
      %select_n3A = arith.select %and3A, %sub3A_31, %div3A : i32
      %jit3A_32 = arith.constant 4 : i32
      %eq3A_33 = arith.constant 0 : i32
      %eq3A_34 = arith.cmpi eq, %jit3A_32, %eq3A_33 : i32
      %jit3A_35 = arith.constant 1 : i32
      %select_n3A_36 = arith.select %eq3A_34, %jit3A_35, %jit3A_32 : i32
      %rem3A_37 = arith.remsi %scan3A_13, %select_n3A_36 : i32
      %ne3A_38 = arith.constant 0 : i32
      %ne3A_39 = arith.cmpi ne, %rem3A_37, %ne3A_38 : i32
      %lt3A = arith.constant 0 : i32
      %lt3A_40 = arith.cmpi slt, %rem3A_37, %lt3A : i32
      %lt3A_41 = arith.constant 0 : i32
      %lt3A_42 = arith.cmpi slt, %select_n3A_36, %lt3A_41 : i32
      %ne3A_43 = arith.xori %lt3A_40, %lt3A_42 : i1
      %and3A_44 = arith.andi %ne3A_43, %ne3A_39 : i1
      %add3A_45 = arith.addi %rem3A_37, %select_n3A_36 : i32
      %select_n3A_46 = arith.select %and3A_44, %add3A_45, %rem3A_37 : i32
      %mul3A_47 = arith.constant 32 : i32
      %mul3A_48 = arith.muli %mul3A_47, %select_n3A : i32
      %add3A_49 = arith.addi %add3A, %mul3A_48 : i32
      %jit3A_50 = arith.constant 2 : i32
      %div3A_51 = arith.divsi %add3A_49, %jit3A_50 : i32
      %sign3A_52 = arith.constant 0 : i32
      %sign3A_53 = arith.cmpi sgt, %add3A_49, %sign3A_52 : i32
      %sign3A_54 = arith.extui %sign3A_53 : i1 to i32
      %sign3A_55 = arith.constant 0 : i32
      %sign3A_56 = arith.cmpi slt, %add3A_49, %sign3A_55 : i32
      %sign3A_57 = arith.extui %sign3A_56 : i1 to i32
      %sign3A_58 = arith.subi %sign3A_54, %sign3A_57 : i32
      %sign3A_59 = arith.constant 0 : i32
      %sign3A_60 = arith.cmpi sgt, %jit3A_50, %sign3A_59 : i32
      %sign3A_61 = arith.extui %sign3A_60 : i1 to i32
      %sign3A_62 = arith.constant 0 : i32
      %sign3A_63 = arith.cmpi slt, %jit3A_50, %sign3A_62 : i32
      %sign3A_64 = arith.extui %sign3A_63 : i1 to i32
      %sign3A_65 = arith.subi %sign3A_61, %sign3A_64 : i32
      %ne3A_66 = arith.cmpi ne, %sign3A_58, %sign3A_65 : i32
      %rem3A_67 = arith.remsi %add3A_49, %jit3A_50 : i32
      %ne3A_68 = arith.constant 0 : i32
      %ne3A_69 = arith.cmpi ne, %rem3A_67, %ne3A_68 : i32
      %and3A_70 = arith.andi %ne3A_66, %ne3A_69 : i1
      %sub3A_71 = arith.constant 1 : i32
      %sub3A_72 = arith.subi %div3A_51, %sub3A_71 : i32
      %select_n3A_73 = arith.select %and3A_70, %sub3A_72, %div3A_51 : i32
      %jit3A_74 = arith.constant 2 : i32
      %eq3A_75 = arith.constant 0 : i32
      %eq3A_76 = arith.cmpi eq, %jit3A_74, %eq3A_75 : i32
      %jit3A_77 = arith.constant 1 : i32
      %select_n3A_78 = arith.select %eq3A_76, %jit3A_77, %jit3A_74 : i32
      %rem3A_79 = arith.remsi %add3A_49, %select_n3A_78 : i32
      %ne3A_80 = arith.constant 0 : i32
      %ne3A_81 = arith.cmpi ne, %rem3A_79, %ne3A_80 : i32
      %lt3A_82 = arith.constant 0 : i32
      %lt3A_83 = arith.cmpi slt, %rem3A_79, %lt3A_82 : i32
      %lt3A_84 = arith.constant 0 : i32
      %lt3A_85 = arith.cmpi slt, %select_n3A_78, %lt3A_84 : i32
      %ne3A_86 = arith.xori %lt3A_83, %lt3A_85 : i1
      %and3A_87 = arith.andi %ne3A_86, %ne3A_81 : i1
      %add3A_88 = arith.addi %rem3A_79, %select_n3A_78 : i32
      %select_n3A_89 = arith.select %and3A_87, %add3A_88, %rem3A_79 : i32
      %jit3A_90 = arith.constant 16 : i32
      %eq3A_91 = arith.constant 0 : i32
      %eq3A_92 = arith.cmpi eq, %jit3A_90, %eq3A_91 : i32
      %jit3A_93 = arith.constant 1 : i32
      %select_n3A_94 = arith.select %eq3A_92, %jit3A_93, %jit3A_90 : i32
      %rem3A_95 = arith.remsi %select_n3A_73, %select_n3A_94 : i32
      %ne3A_96 = arith.constant 0 : i32
      %ne3A_97 = arith.cmpi ne, %rem3A_95, %ne3A_96 : i32
      %lt3A_98 = arith.constant 0 : i32
      %lt3A_99 = arith.cmpi slt, %rem3A_95, %lt3A_98 : i32
      %lt3A_100 = arith.constant 0 : i32
      %lt3A_101 = arith.cmpi slt, %select_n3A_94, %lt3A_100 : i32
      %ne3A_102 = arith.xori %lt3A_99, %lt3A_101 : i1
      %and3A_103 = arith.andi %ne3A_102, %ne3A_97 : i1
      %add3A_104 = arith.addi %rem3A_95, %select_n3A_94 : i32
      %select_n3A_105 = arith.select %and3A_103, %add3A_104, %rem3A_95 : i32
      %mul3A_106 = arith.constant 8192 : i32
      %mul3A_107 = arith.muli %select_n3A_89, %mul3A_106 : i32
      %mul3A_108 = arith.constant 2048 : i32
      %mul3A_109 = arith.muli %select_n3A_46, %mul3A_108 : i32
      %add3A_110 = arith.addi %mul3A_107, %mul3A_109 : i32
      "tpu.region"() ({
        %run_scoped3A = tpu.sem_alloc : memref<!tpu.dma_semaphore, #tpu.memory_space<semaphore_mem>>
        %dma_start3A_186 = arith.constant 0 : i32
        %dma_start3A_187 = arith.constant 0 : i32
        %dma_start3A_188 = tpu.memref_slice %arg4[%select_n3A_73, %dma_start3A_186, %dma_start3A_187] : memref<48x4x16xf32, #tpu.memory_space<hbm>> -> memref<1x4x16xf32, #tpu.memory_space<hbm>>
        %dma_start3A_189 = tpu.memref_squeeze %dma_start3A_188 : memref<1x4x16xf32, #tpu.memory_space<hbm>> -> memref<4x16xf32, #tpu.memory_space<hbm>>
        %dma_start3A_190 = arith.constant 0 : i32
        %dma_start3A_191 = arith.constant 0 : i32
        %dma_start3A_192 = tpu.memref_slice %arg4[%select_n3A_73, %dma_start3A_190, %dma_start3A_191] : memref<48x4x16xf32, #tpu.memory_space<hbm>> -> memref<1x4x16xf32, #tpu.memory_space<hbm>>
        %dma_start3A_193 = tpu.memref_squeeze %dma_start3A_192 : memref<1x4x16xf32, #tpu.memory_space<hbm>> -> memref<4x16xf32, #tpu.memory_space<hbm>>
        tpu.enqueue_dma source(%dma_start3A_193 : memref<4x16xf32, #tpu.memory_space<hbm>>) target(%arg23 : memref<4x16xf32, #tpu.memory_space<vmem>>) target_semaphore(%run_scoped3A : memref<!tpu.dma_semaphore, #tpu.memory_space<semaphore_mem>>)
        %dma_wait3A_194 = arith.constant 0 : i32
        %dma_wait3A_195 = arith.constant 0 : i32
        %dma_wait3A_196 = tpu.memref_slice %arg4[%select_n3A_73, %dma_wait3A_194, %dma_wait3A_195] : memref<48x4x16xf32, #tpu.memory_space<hbm>> -> memref<1x4x16xf32, #tpu.memory_space<hbm>>
        %dma_wait3A_197 = tpu.memref_squeeze %dma_wait3A_196 : memref<1x4x16xf32, #tpu.memory_space<hbm>> -> memref<4x16xf32, #tpu.memory_space<hbm>>
        %dma_wait3A_198 = arith.constant 0 : i32
        %dma_wait3A_199 = arith.constant 0 : i32
        %dma_wait3A_200 = tpu.memref_slice %arg4[%select_n3A_73, %dma_wait3A_198, %dma_wait3A_199] : memref<48x4x16xf32, #tpu.memory_space<hbm>> -> memref<1x4x16xf32, #tpu.memory_space<hbm>>
        %dma_wait3A_201 = tpu.memref_squeeze %dma_wait3A_200 : memref<1x4x16xf32, #tpu.memory_space<hbm>> -> memref<4x16xf32, #tpu.memory_space<hbm>>
        tpu.wait_dma2 semaphore(%run_scoped3A : memref<!tpu.dma_semaphore, #tpu.memory_space<semaphore_mem>>) src(%dma_wait3A_201 : memref<4x16xf32, #tpu.memory_space<hbm>>) dst(%arg23 : memref<4x16xf32, #tpu.memory_space<vmem>>)
        tpu.yield
      }) : () -> ()
      %get3A = arith.constant 0 : i32
      %get3A_111 = arith.index_cast %get3A : i32 to index
      %get3A_112 = arith.constant 0 : index
      %get3A_113 = tpu.vector_load %arg23[%get3A_111, %get3A_112] {strides = array<i32>} : memref<4x16xf32, #tpu.memory_space<vmem>>, vector<1x16xf32>,
      %get3A_114 = vector.shape_cast %get3A_113 : vector<1x16xf32> to vector<16xf32>
      %get3A_115 = arith.constant 1 : i32
      %get3A_116 = arith.index_cast %get3A_115 : i32 to index
      %get3A_117 = arith.constant 0 : index
      %get3A_118 = tpu.vector_load %arg23[%get3A_116, %get3A_117] {strides = array<i32>} : memref<4x16xf32, #tpu.memory_space<vmem>>, vector<1x16xf32>,
      %get3A_119 = vector.shape_cast %get3A_118 : vector<1x16xf32> to vector<16xf32>
      %get3A_120 = arith.constant 2 : i32
      %get3A_121 = arith.index_cast %get3A_120 : i32 to index
      %get3A_122 = arith.constant 0 : index
      %get3A_123 = tpu.vector_load %arg23[%get3A_121, %get3A_122] {strides = array<i32>} : memref<4x16xf32, #tpu.memory_space<vmem>>, vector<1x16xf32>,
      %get3A_124 = vector.shape_cast %get3A_123 : vector<1x16xf32> to vector<16xf32>
      %get3A_125 = arith.constant 3 : i32
      %get3A_126 = arith.index_cast %get3A_125 : i32 to index
      %get3A_127 = arith.constant 0 : index
      %get3A_128 = tpu.vector_load %arg23[%get3A_126, %get3A_127] {strides = array<i32>} : memref<4x16xf32, #tpu.memory_space<vmem>>, vector<1x16xf32>,
      %get3A_129 = vector.shape_cast %get3A_128 : vector<1x16xf32> to vector<16xf32>
      %mul3A_130 = arith.mulf %get3A_114, %get3A_114 : vector<16xf32>
      %mul3A_131 = arith.mulf %get3A_119, %get3A_119 : vector<16xf32>
      %add3A_132 = arith.addf %mul3A_130, %mul3A_131 : vector<16xf32>
      %mul3A_133 = arith.mulf %get3A_124, %get3A_124 : vector<16xf32>
      %add3A_134 = arith.addf %add3A_132, %mul3A_133 : vector<16xf32>
      %div3A_135 = arith.constant 2.000000e+00 : f32
      %div3A_136 = vector.broadcast %div3A_135 : f32 to vector<16xf32>
      %div3A_137 = arith.divf %div3A_136, %add3A_134 : vector<16xf32>
      %mul3A_138 = arith.constant 16384 : i32
      %mul3A_139 = arith.muli %select_n3A_105, %mul3A_138 : i32
      %add3A_140 = arith.addi %mul3A_139, %add3A_110 : i32
      "tpu.region"() ({
        %run_scoped3A = tpu.sem_alloc : memref<!tpu.dma_semaphore, #tpu.memory_space<semaphore_mem>>
        %dma_start3A_186 = tpu.memref_slice %arg3[%add3A_140] : memref<786432xi32, #tpu.memory_space<hbm>> -> memref<2048xi32, #tpu.memory_space<hbm>>
        %dma_start3A_187 = tpu.memref_slice %arg3[%add3A_140] : memref<786432xi32, #tpu.memory_space<hbm>> -> memref<2048xi32, #tpu.memory_space<hbm>>
        tpu.enqueue_dma source(%dma_start3A_187 : memref<2048xi32, #tpu.memory_space<hbm>>) target(%arg15 : memref<2048xi32, #tpu.memory_space<vmem>>) target_semaphore(%run_scoped3A : memref<!tpu.dma_semaphore, #tpu.memory_space<semaphore_mem>>)
        %dma_wait3A_188 = tpu.memref_slice %arg3[%add3A_140] : memref<786432xi32, #tpu.memory_space<hbm>> -> memref<2048xi32, #tpu.memory_space<hbm>>
        %dma_wait3A_189 = tpu.memref_slice %arg3[%add3A_140] : memref<786432xi32, #tpu.memory_space<hbm>> -> memref<2048xi32, #tpu.memory_space<hbm>>
        tpu.wait_dma2 semaphore(%run_scoped3A : memref<!tpu.dma_semaphore, #tpu.memory_space<semaphore_mem>>) src(%dma_wait3A_189 : memref<2048xi32, #tpu.memory_space<hbm>>) dst(%arg15 : memref<2048xi32, #tpu.memory_space<vmem>>)
        tpu.yield
      }) : () -> ()
      %add3A_141 = arith.constant 262144 : i32
      %add3A_142 = arith.addi %add3A_141, %add3A_140 : i32
      "tpu.region"() ({
        %run_scoped3A = tpu.sem_alloc : memref<!tpu.dma_semaphore, #tpu.memory_space<semaphore_mem>>
        %dma_start3A_186 = tpu.memref_slice %arg3[%add3A_142] : memref<786432xi32, #tpu.memory_space<hbm>> -> memref<2048xi32, #tpu.memory_space<hbm>>
        %dma_start3A_187 = tpu.memref_slice %arg3[%add3A_142] : memref<786432xi32, #tpu.memory_space<hbm>> -> memref<2048xi32, #tpu.memory_space<hbm>>
        tpu.enqueue_dma source(%dma_start3A_187 : memref<2048xi32, #tpu.memory_space<hbm>>) target(%arg16 : memref<2048xi32, #tpu.memory_space<vmem>>) target_semaphore(%run_scoped3A : memref<!tpu.dma_semaphore, #tpu.memory_space<semaphore_mem>>)
        %dma_wait3A_188 = tpu.memref_slice %arg3[%add3A_142] : memref<786432xi32, #tpu.memory_space<hbm>> -> memref<2048xi32, #tpu.memory_space<hbm>>
        %dma_wait3A_189 = tpu.memref_slice %arg3[%add3A_142] : memref<786432xi32, #tpu.memory_space<hbm>> -> memref<2048xi32, #tpu.memory_space<hbm>>
        tpu.wait_dma2 semaphore(%run_scoped3A : memref<!tpu.dma_semaphore, #tpu.memory_space<semaphore_mem>>) src(%dma_wait3A_189 : memref<2048xi32, #tpu.memory_space<hbm>>) dst(%arg16 : memref<2048xi32, #tpu.memory_space<vmem>>)
        tpu.yield
      }) : () -> ()
      %add3A_143 = arith.constant 524288 : i32
      %add3A_144 = arith.addi %add3A_143, %add3A_140 : i32
      "tpu.region"() ({
        %run_scoped3A = tpu.sem_alloc : memref<!tpu.dma_semaphore, #tpu.memory_space<semaphore_mem>>
        %dma_start3A_186 = tpu.memref_slice %arg3[%add3A_144] : memref<786432xi32, #tpu.memory_space<hbm>> -> memref<2048xi32, #tpu.memory_space<hbm>>
        %dma_start3A_187 = tpu.memref_slice %arg3[%add3A_144] : memref<786432xi32, #tpu.memory_space<hbm>> -> memref<2048xi32, #tpu.memory_space<hbm>>
        tpu.enqueue_dma source(%dma_start3A_187 : memref<2048xi32, #tpu.memory_space<hbm>>) target(%arg17 : memref<2048xi32, #tpu.memory_space<vmem>>) target_semaphore(%run_scoped3A : memref<!tpu.dma_semaphore, #tpu.memory_space<semaphore_mem>>)
        %dma_wait3A_188 = tpu.memref_slice %arg3[%add3A_144] : memref<786432xi32, #tpu.memory_space<hbm>> -> memref<2048xi32, #tpu.memory_space<hbm>>
        %dma_wait3A_189 = tpu.memref_slice %arg3[%add3A_144] : memref<786432xi32, #tpu.memory_space<hbm>> -> memref<2048xi32, #tpu.memory_space<hbm>>
        tpu.wait_dma2 semaphore(%run_scoped3A : memref<!tpu.dma_semaphore, #tpu.memory_space<semaphore_mem>>) src(%dma_wait3A_189 : memref<2048xi32, #tpu.memory_space<hbm>>) dst(%arg17 : memref<2048xi32, #tpu.memory_space<vmem>>)
        tpu.yield
      }) : () -> ()
      %dma_start3A = arith.constant 0 : i32
      %dma_start3A_145 = tpu.memref_slice %arg2[%dma_start3A] : memref<786432xf32, #tpu.memory_space<hbm>> -> memref<786432xf32, #tpu.memory_space<hbm>>
      tpu.enqueue_indirect_dma source(%dma_start3A_145 : memref<786432xf32, #tpu.memory_space<hbm>>) target(%arg9 : memref<2048xf32, #tpu.memory_space<vmem>>) offsets(%arg15 : memref<2048xi32, #tpu.memory_space<vmem>>) semaphore(%arg27 : memref<!tpu.dma_semaphore, #tpu.memory_space<semaphore_mem>>)
      %dma_start3A_146 = arith.constant 0 : i32
      %dma_start3A_147 = tpu.memref_slice %arg2[%dma_start3A_146] : memref<786432xf32, #tpu.memory_space<hbm>> -> memref<786432xf32, #tpu.memory_space<hbm>>
      tpu.enqueue_indirect_dma source(%dma_start3A_147 : memref<786432xf32, #tpu.memory_space<hbm>>) target(%arg10 : memref<2048xf32, #tpu.memory_space<vmem>>) offsets(%arg16 : memref<2048xi32, #tpu.memory_space<vmem>>) semaphore(%arg27 : memref<!tpu.dma_semaphore, #tpu.memory_space<semaphore_mem>>)
      %dma_start3A_148 = arith.constant 0 : i32
      %dma_start3A_149 = tpu.memref_slice %arg2[%dma_start3A_148] : memref<786432xf32, #tpu.memory_space<hbm>> -> memref<786432xf32, #tpu.memory_space<hbm>>
      tpu.enqueue_indirect_dma source(%dma_start3A_149 : memref<786432xf32, #tpu.memory_space<hbm>>) target(%arg11 : memref<2048xf32, #tpu.memory_space<vmem>>) offsets(%arg17 : memref<2048xi32, #tpu.memory_space<vmem>>) semaphore(%arg27 : memref<!tpu.dma_semaphore, #tpu.memory_space<semaphore_mem>>)
      %dma_wait3A = arith.constant 0 : i32
      %dma_wait3A_150 = tpu.memref_slice %arg2[%dma_wait3A] : memref<786432xf32, #tpu.memory_space<hbm>> -> memref<786432xf32, #tpu.memory_space<hbm>>
      tpu.wait_indirect_dma semaphore(%arg27 : memref<!tpu.dma_semaphore, #tpu.memory_space<semaphore_mem>>) src(%dma_wait3A_150 : memref<786432xf32, #tpu.memory_space<hbm>>) dst(%arg9 : memref<2048xf32, #tpu.memory_space<vmem>>)
      %dma_wait3A_151 = arith.constant 0 : i32
      %dma_wait3A_152 = tpu.memref_slice %arg2[%dma_wait3A_151] : memref<786432xf32, #tpu.memory_space<hbm>> -> memref<786432xf32, #tpu.memory_space<hbm>>
      tpu.wait_indirect_dma semaphore(%arg27 : memref<!tpu.dma_semaphore, #tpu.memory_space<semaphore_mem>>) src(%dma_wait3A_152 : memref<786432xf32, #tpu.memory_space<hbm>>) dst(%arg10 : memref<2048xf32, #tpu.memory_space<vmem>>)
      %dma_wait3A_153 = arith.constant 0 : i32
      %dma_wait3A_154 = tpu.memref_slice %arg2[%dma_wait3A_153] : memref<786432xf32, #tpu.memory_space<hbm>> -> memref<786432xf32, #tpu.memory_space<hbm>>
      tpu.wait_indirect_dma semaphore(%arg27 : memref<!tpu.dma_semaphore, #tpu.memory_space<semaphore_mem>>) src(%dma_wait3A_154 : memref<786432xf32, #tpu.memory_space<hbm>>) dst(%arg11 : memref<2048xf32, #tpu.memory_space<vmem>>)
      %mul3A_155 = arith.constant 262144 : i32
      %mul3A_156 = arith.muli %select_n3A_105, %mul3A_155 : i32
      %scan3A_157 = arith.constant 0 : i32
      %scan3A_158 = arith.constant 0 : i32
      %scan3A_159 = arith.constant 128 : i32
      %scan3A_160 = arith.addi %scan3A_158, %scan3A_159 : i32
      %scan3A_161 = arith.constant 1 : i32
      %scan3A_162 = scf.for %scan3A_186 = %scan3A_158 to %scan3A_160 step %scan3A_161 iter_args(%scan3A_187 = %scan3A_157) -> (i32)  : i32 {
        %mul3A_188 = arith.constant 16 : i32
        %mul3A_189 = arith.muli %scan3A_186, %mul3A_188 : i32
        %multiple_of3A = tpu.assume_multiple %mul3A_189, 16 : i32
        %get3A_190 = arith.index_cast %multiple_of3A : i32 to index
        %get3A_191 = tpu.vector_load %arg9[%get3A_190] {strides = array<i32>} : memref<2048xf32, #tpu.memory_space<vmem>>, vector<16xf32>,
        %get3A_192 = vector.shape_cast %get3A_191 : vector<16xf32> to vector<16xf32>
        %get3A_193 = arith.index_cast %multiple_of3A : i32 to index
        %get3A_194 = tpu.vector_load %arg10[%get3A_193] {strides = array<i32>} : memref<2048xf32, #tpu.memory_space<vmem>>, vector<16xf32>,
        %get3A_195 = vector.shape_cast %get3A_194 : vector<16xf32> to vector<16xf32>
        %get3A_196 = arith.index_cast %multiple_of3A : i32 to index
        %get3A_197 = tpu.vector_load %arg11[%get3A_196] {strides = array<i32>} : memref<2048xf32, #tpu.memory_space<vmem>>, vector<16xf32>,
        %get3A_198 = vector.shape_cast %get3A_197 : vector<16xf32> to vector<16xf32>
        %mul3A_199 = arith.mulf %get3A_192, %get3A_114 : vector<16xf32>
        %mul3A_200 = arith.mulf %get3A_195, %get3A_119 : vector<16xf32>
        %add3A_201 = arith.addf %mul3A_199, %mul3A_200 : vector<16xf32>
        %mul3A_202 = arith.mulf %get3A_198, %get3A_124 : vector<16xf32>
        %add3A_203 = arith.addf %add3A_201, %mul3A_202 : vector<16xf32>
        %add3A_204 = arith.addf %add3A_203, %get3A_129 : vector<16xf32>
        %mul3A_205 = arith.mulf %add3A_204, %div3A_137 : vector<16xf32>
        %mul3A_206 = arith.mulf %mul3A_205, %get3A_114 : vector<16xf32>
        %sub3A_207 = arith.subf %get3A_192, %mul3A_206 : vector<16xf32>
        %mul3A_208 = arith.mulf %mul3A_205, %get3A_119 : vector<16xf32>
        %sub3A_209 = arith.subf %get3A_195, %mul3A_208 : vector<16xf32>
        %mul3A_210 = arith.mulf %mul3A_205, %get3A_124 : vector<16xf32>
        %sub3A_211 = arith.subf %get3A_198, %mul3A_210 : vector<16xf32>
        %swap3A = arith.index_cast %multiple_of3A : i32 to index
        %swap3A_212 = tpu.vector_load %arg12[%swap3A] {strides = array<i32>} : memref<2048xf32, #tpu.memory_space<vmem>>, vector<16xf32>,
        %swap3A_213 = vector.shape_cast %swap3A_212 : vector<16xf32> to vector<16xf32>
        %swap3A_214 = vector.shape_cast %sub3A_207 : vector<16xf32> to vector<16xf32>
        tpu.vector_store %arg12[%swap3A], %swap3A_214 {strides = array<i32>} : memref<2048xf32, #tpu.memory_space<vmem>>, vector<16xf32>,
        %swap3A_215 = arith.index_cast %multiple_of3A : i32 to index
        %swap3A_216 = tpu.vector_load %arg13[%swap3A_215] {strides = array<i32>} : memref<2048xf32, #tpu.memory_space<vmem>>, vector<16xf32>,
        %swap3A_217 = vector.shape_cast %swap3A_216 : vector<16xf32> to vector<16xf32>
        %swap3A_218 = vector.shape_cast %sub3A_209 : vector<16xf32> to vector<16xf32>
        tpu.vector_store %arg13[%swap3A_215], %swap3A_218 {strides = array<i32>} : memref<2048xf32, #tpu.memory_space<vmem>>, vector<16xf32>,
        %swap3A_219 = arith.index_cast %multiple_of3A : i32 to index
        %swap3A_220 = tpu.vector_load %arg14[%swap3A_219] {strides = array<i32>} : memref<2048xf32, #tpu.memory_space<vmem>>, vector<16xf32>,
        %swap3A_221 = vector.shape_cast %swap3A_220 : vector<16xf32> to vector<16xf32>
        %swap3A_222 = vector.shape_cast %sub3A_211 : vector<16xf32> to vector<16xf32>
        tpu.vector_store %arg14[%swap3A_219], %swap3A_222 {strides = array<i32>} : memref<2048xf32, #tpu.memory_space<vmem>>, vector<16xf32>,
        %add3A_223 = arith.constant 5.000000e-01 : f32
        %add3A_224 = vector.broadcast %add3A_223 : f32 to vector<16xf32>
        %add3A_225 = arith.addf %sub3A_207, %add3A_224 : vector<16xf32>
        %mul3A_226 = arith.constant 6.400000e+01 : f32
        %mul3A_227 = vector.broadcast %mul3A_226 : f32 to vector<16xf32>
        %mul3A_228 = arith.mulf %add3A_225, %mul3A_227 : vector<16xf32>
        %jit3A_229 = arith.constant -1.000000e+00 : f32
        %jit3A_230 = arith.constant 6.400000e+01 : f32
        %max3A = vector.broadcast %jit3A_229 : f32 to vector<16xf32>
        %max3A_231 = arith.maximumf %max3A, %mul3A_228 : vector<16xf32>
        %min3A = vector.broadcast %jit3A_230 : f32 to vector<16xf32>
        %min3A_232 = arith.minimumf %min3A, %max3A_231 : vector<16xf32>
        %add3A_233 = arith.constant 5.000000e-01 : f32
        %add3A_234 = vector.broadcast %add3A_233 : f32 to vector<16xf32>
        %add3A_235 = arith.addf %sub3A_209, %add3A_234 : vector<16xf32>
        %mul3A_236 = arith.constant 6.400000e+01 : f32
        %mul3A_237 = vector.broadcast %mul3A_236 : f32 to vector<16xf32>
        %mul3A_238 = arith.mulf %add3A_235, %mul3A_237 : vector<16xf32>
        %jit3A_239 = arith.constant -1.000000e+00 : f32
        %jit3A_240 = arith.constant 6.400000e+01 : f32
        %max3A_241 = vector.broadcast %jit3A_239 : f32 to vector<16xf32>
        %max3A_242 = arith.maximumf %max3A_241, %mul3A_238 : vector<16xf32>
        %min3A_243 = vector.broadcast %jit3A_240 : f32 to vector<16xf32>
        %min3A_244 = arith.minimumf %min3A_243, %max3A_242 : vector<16xf32>
        %add3A_245 = arith.constant 5.000000e-01 : f32
        %add3A_246 = vector.broadcast %add3A_245 : f32 to vector<16xf32>
        %add3A_247 = arith.addf %sub3A_211, %add3A_246 : vector<16xf32>
        %mul3A_248 = arith.constant 6.400000e+01 : f32
        %mul3A_249 = vector.broadcast %mul3A_248 : f32 to vector<16xf32>
        %mul3A_250 = arith.mulf %add3A_247, %mul3A_249 : vector<16xf32>
        %jit3A_251 = arith.constant -1.000000e+00 : f32
        %jit3A_252 = arith.constant 6.400000e+01 : f32
        %max3A_253 = vector.broadcast %jit3A_251 : f32 to vector<16xf32>
        %max3A_254 = arith.maximumf %max3A_253, %mul3A_250 : vector<16xf32>
        %min3A_255 = vector.broadcast %jit3A_252 : f32 to vector<16xf32>
        %min3A_256 = arith.minimumf %min3A_255, %max3A_254 : vector<16xf32>
        %convert_element_type3A_257 = arith.fptosi %min3A_232 : vector<16xf32> to vector<16xi32>
        %jit3A_258 = arith.constant 0 : i32
        %jit3A_259 = arith.constant 63 : i32
        %max3A_260 = vector.broadcast %jit3A_258 : i32 to vector<16xi32>
        %max3A_261 = arith.maxsi %max3A_260, %convert_element_type3A_257 : vector<16xi32>
        %min3A_262 = vector.broadcast %jit3A_259 : i32 to vector<16xi32>
        %min3A_263 = arith.minsi %min3A_262, %max3A_261 : vector<16xi32>
        %convert_element_type3A_264 = arith.fptosi %min3A_244 : vector<16xf32> to vector<16xi32>
        %jit3A_265 = arith.constant 0 : i32
        %jit3A_266 = arith.constant 63 : i32
        %max3A_267 = vector.broadcast %jit3A_265 : i32 to vector<16xi32>
        %max3A_268 = arith.maxsi %max3A_267, %convert_element_type3A_264 : vector<16xi32>
        %min3A_269 = vector.broadcast %jit3A_266 : i32 to vector<16xi32>
        %min3A_270 = arith.minsi %min3A_269, %max3A_268 : vector<16xi32>
        %convert_element_type3A_271 = arith.fptosi %min3A_256 : vector<16xf32> to vector<16xi32>
        %jit3A_272 = arith.constant 0 : i32
        %jit3A_273 = arith.constant 63 : i32
        %max3A_274 = vector.broadcast %jit3A_272 : i32 to vector<16xi32>
        %max3A_275 = arith.maxsi %max3A_274, %convert_element_type3A_271 : vector<16xi32>
        %min3A_276 = vector.broadcast %jit3A_273 : i32 to vector<16xi32>
        %min3A_277 = arith.minsi %min3A_276, %max3A_275 : vector<16xi32>
        %mul3A_278 = arith.constant 64 : i32
        %mul3A_279 = vector.broadcast %mul3A_278 : i32 to vector<16xi32>
        %mul3A_280 = arith.muli %min3A_263, %mul3A_279 : vector<16xi32>
        %add3A_281 = arith.addi %mul3A_280, %min3A_270 : vector<16xi32>
        %mul3A_282 = arith.constant 64 : i32
        %mul3A_283 = vector.broadcast %mul3A_282 : i32 to vector<16xi32>
        %mul3A_284 = arith.muli %add3A_281, %mul3A_283 : vector<16xi32>
        %add3A_285 = arith.addi %mul3A_284, %min3A_277 : vector<16xi32>
        %add3A_286 = vector.broadcast %mul3A_156 : i32 to vector<16xi32>
        %add3A_287 = arith.addi %add3A_285, %add3A_286 : vector<16xi32>
        %mul3A_288 = arith.constant 3 : i32
        %mul3A_289 = vector.broadcast %mul3A_288 : i32 to vector<16xi32>
        %mul3A_290 = arith.muli %add3A_287, %mul3A_289 : vector<16xi32>
        %swap3A_291 = arith.index_cast %multiple_of3A : i32 to index
        %swap3A_292 = tpu.vector_load %arg15[%swap3A_291] {strides = array<i32>} : memref<2048xi32, #tpu.memory_space<vmem>>, vector<16xi32>,
        %swap3A_293 = vector.shape_cast %swap3A_292 : vector<16xi32> to vector<16xi32>
        %swap3A_294 = vector.shape_cast %mul3A_290 : vector<16xi32> to vector<16xi32>
        tpu.vector_store %arg15[%swap3A_291], %swap3A_294 {strides = array<i32>} : memref<2048xi32, #tpu.memory_space<vmem>>, vector<16xi32>,
        %add3A_295 = arith.constant 1 : i32
        %add3A_296 = vector.broadcast %add3A_295 : i32 to vector<16xi32>
        %add3A_297 = arith.addi %mul3A_290, %add3A_296 : vector<16xi32>
        %swap3A_298 = arith.index_cast %multiple_of3A : i32 to index
        %swap3A_299 = tpu.vector_load %arg16[%swap3A_298] {strides = array<i32>} : memref<2048xi32, #tpu.memory_space<vmem>>, vector<16xi32>,
        %swap3A_300 = vector.shape_cast %swap3A_299 : vector<16xi32> to vector<16xi32>
        %swap3A_301 = vector.shape_cast %add3A_297 : vector<16xi32> to vector<16xi32>
        tpu.vector_store %arg16[%swap3A_298], %swap3A_301 {strides = array<i32>} : memref<2048xi32, #tpu.memory_space<vmem>>, vector<16xi32>,
        %add3A_302 = arith.constant 2 : i32
        %add3A_303 = vector.broadcast %add3A_302 : i32 to vector<16xi32>
        %add3A_304 = arith.addi %mul3A_290, %add3A_303 : vector<16xi32>
        %swap3A_305 = arith.index_cast %multiple_of3A : i32 to index
        %swap3A_306 = tpu.vector_load %arg17[%swap3A_305] {strides = array<i32>} : memref<2048xi32, #tpu.memory_space<vmem>>, vector<16xi32>,
        %swap3A_307 = vector.shape_cast %swap3A_306 : vector<16xi32> to vector<16xi32>
        %swap3A_308 = vector.shape_cast %add3A_304 : vector<16xi32> to vector<16xi32>
        tpu.vector_store %arg17[%swap3A_305], %swap3A_308 {strides = array<i32>} : memref<2048xi32, #tpu.memory_space<vmem>>, vector<16xi32>,
        %swap3A_309 = arith.index_cast %multiple_of3A : i32 to index
        %swap3A_310 = tpu.vector_load %arg18[%swap3A_309] {strides = array<i32>} : memref<2048xi32, #tpu.memory_space<vmem>>, vector<16xi32>,
        %swap3A_311 = vector.shape_cast %swap3A_310 : vector<16xi32> to vector<16xi32>
        %swap3A_312 = vector.shape_cast %add3A_287 : vector<16xi32> to vector<16xi32>
        tpu.vector_store %arg18[%swap3A_309], %swap3A_312 {strides = array<i32>} : memref<2048xi32, #tpu.memory_space<vmem>>, vector<16xi32>,
        %scan3A_313 = arith.constant 0 : i32
        scf.yield %scan3A_313 : i32
      }
      %scan3A_163 = arith.constant 128 : i32
      %dma_start3A_164 = arith.constant 0 : i32
      %dma_start3A_165 = tpu.memref_slice %arg6[%dma_start3A_164] : memref<12582912xf32, #tpu.memory_space<hbm>> -> memref<12582912xf32, #tpu.memory_space<hbm>>
      tpu.enqueue_indirect_dma source(%dma_start3A_165 : memref<12582912xf32, #tpu.memory_space<hbm>>) target(%arg19 : memref<2048xf32, #tpu.memory_space<vmem>>) offsets(%arg15 : memref<2048xi32, #tpu.memory_space<vmem>>) semaphore(%arg27 : memref<!tpu.dma_semaphore, #tpu.memory_space<semaphore_mem>>)
      %dma_start3A_166 = arith.constant 0 : i32
      %dma_start3A_167 = tpu.memref_slice %arg6[%dma_start3A_166] : memref<12582912xf32, #tpu.memory_space<hbm>> -> memref<12582912xf32, #tpu.memory_space<hbm>>
      tpu.enqueue_indirect_dma source(%dma_start3A_167 : memref<12582912xf32, #tpu.memory_space<hbm>>) target(%arg20 : memref<2048xf32, #tpu.memory_space<vmem>>) offsets(%arg16 : memref<2048xi32, #tpu.memory_space<vmem>>) semaphore(%arg27 : memref<!tpu.dma_semaphore, #tpu.memory_space<semaphore_mem>>)
      %dma_start3A_168 = arith.constant 0 : i32
      %dma_start3A_169 = tpu.memref_slice %arg6[%dma_start3A_168] : memref<12582912xf32, #tpu.memory_space<hbm>> -> memref<12582912xf32, #tpu.memory_space<hbm>>
      tpu.enqueue_indirect_dma source(%dma_start3A_169 : memref<12582912xf32, #tpu.memory_space<hbm>>) target(%arg21 : memref<2048xf32, #tpu.memory_space<vmem>>) offsets(%arg17 : memref<2048xi32, #tpu.memory_space<vmem>>) semaphore(%arg27 : memref<!tpu.dma_semaphore, #tpu.memory_space<semaphore_mem>>)
      %dma_start3A_170 = arith.constant 0 : i32
      %dma_start3A_171 = tpu.memref_slice %arg7[%dma_start3A_170] : memref<4194304xf32, #tpu.memory_space<hbm>> -> memref<4194304xf32, #tpu.memory_space<hbm>>
      tpu.enqueue_indirect_dma source(%dma_start3A_171 : memref<4194304xf32, #tpu.memory_space<hbm>>) target(%arg22 : memref<2048xf32, #tpu.memory_space<vmem>>) offsets(%arg18 : memref<2048xi32, #tpu.memory_space<vmem>>) semaphore(%arg27 : memref<!tpu.dma_semaphore, #tpu.memory_space<semaphore_mem>>)
      %dma_wait3A_172 = arith.constant 0 : i32
      %dma_wait3A_173 = tpu.memref_slice %arg6[%dma_wait3A_172] : memref<12582912xf32, #tpu.memory_space<hbm>> -> memref<12582912xf32, #tpu.memory_space<hbm>>
      tpu.wait_indirect_dma semaphore(%arg27 : memref<!tpu.dma_semaphore, #tpu.memory_space<semaphore_mem>>) src(%dma_wait3A_173 : memref<12582912xf32, #tpu.memory_space<hbm>>) dst(%arg19 : memref<2048xf32, #tpu.memory_space<vmem>>)
      %dma_wait3A_174 = arith.constant 0 : i32
      %dma_wait3A_175 = tpu.memref_slice %arg6[%dma_wait3A_174] : memref<12582912xf32, #tpu.memory_space<hbm>> -> memref<12582912xf32, #tpu.memory_space<hbm>>
      tpu.wait_indirect_dma semaphore(%arg27 : memref<!tpu.dma_semaphore, #tpu.memory_space<semaphore_mem>>) src(%dma_wait3A_175 : memref<12582912xf32, #tpu.memory_space<hbm>>) dst(%arg20 : memref<2048xf32, #tpu.memory_space<vmem>>)
      %dma_wait3A_176 = arith.constant 0 : i32
      %dma_wait3A_177 = tpu.memref_slice %arg6[%dma_wait3A_176] : memref<12582912xf32, #tpu.memory_space<hbm>> -> memref<12582912xf32, #tpu.memory_space<hbm>>
      tpu.wait_indirect_dma semaphore(%arg27 : memref<!tpu.dma_semaphore, #tpu.memory_space<semaphore_mem>>) src(%dma_wait3A_177 : memref<12582912xf32, #tpu.memory_space<hbm>>) dst(%arg21 : memref<2048xf32, #tpu.memory_space<vmem>>)
      %dma_wait3A_178 = arith.constant 0 : i32
      %dma_wait3A_179 = tpu.memref_slice %arg7[%dma_wait3A_178] : memref<4194304xf32, #tpu.memory_space<hbm>> -> memref<4194304xf32, #tpu.memory_space<hbm>>
      tpu.wait_indirect_dma semaphore(%arg27 : memref<!tpu.dma_semaphore, #tpu.memory_space<semaphore_mem>>) src(%dma_wait3A_179 : memref<4194304xf32, #tpu.memory_space<hbm>>) dst(%arg22 : memref<2048xf32, #tpu.memory_space<vmem>>)
      %scan3A_180 = arith.constant 0 : i32
      %scan3A_181 = arith.constant 128 : i32
      %scan3A_182 = arith.addi %scan3A_180, %scan3A_181 : i32
      %scan3A_183 = arith.constant 1 : i32
      %scan3A_184 = scf.for %scan3A_186 = %scan3A_180 to %scan3A_182 step %scan3A_183 iter_args(%scan3A_187 = %scan3A_14) -> (vector<16xf32>)  : i32 {
        %mul3A_188 = arith.constant 16 : i32
        %mul3A_189 = arith.muli %scan3A_186, %mul3A_188 : i32
        %multiple_of3A = tpu.assume_multiple %mul3A_189, 16 : i32
        %get3A_190 = arith.index_cast %multiple_of3A : i32 to index
        %get3A_191 = tpu.vector_load %arg22[%get3A_190] {strides = array<i32>} : memref<2048xf32, #tpu.memory_space<vmem>>, vector<16xf32>,
        %get3A_192 = vector.shape_cast %get3A_191 : vector<16xf32> to vector<16xf32>
        %get3A_193 = arith.index_cast %multiple_of3A : i32 to index
        %get3A_194 = tpu.vector_load %arg12[%get3A_193] {strides = array<i32>} : memref<2048xf32, #tpu.memory_space<vmem>>, vector<16xf32>,
        %get3A_195 = vector.shape_cast %get3A_194 : vector<16xf32> to vector<16xf32>
        %get3A_196 = arith.index_cast %multiple_of3A : i32 to index
        %get3A_197 = tpu.vector_load %arg19[%get3A_196] {strides = array<i32>} : memref<2048xf32, #tpu.memory_space<vmem>>, vector<16xf32>,
        %get3A_198 = vector.shape_cast %get3A_197 : vector<16xf32> to vector<16xf32>
        %sub3A_199 = arith.subf %get3A_195, %get3A_198 : vector<16xf32>
        %add3A_200 = arith.constant 9.99999997E-7 : f32
        %add3A_201 = vector.broadcast %add3A_200 : f32 to vector<16xf32>
        %add3A_202 = arith.addf %sub3A_199, %add3A_201 : vector<16xf32>
        %get3A_203 = arith.index_cast %multiple_of3A : i32 to index
        %get3A_204 = tpu.vector_load %arg13[%get3A_203] {strides = array<i32>} : memref<2048xf32, #tpu.memory_space<vmem>>, vector<16xf32>,
        %get3A_205 = vector.shape_cast %get3A_204 : vector<16xf32> to vector<16xf32>
        %get3A_206 = arith.index_cast %multiple_of3A : i32 to index
        %get3A_207 = tpu.vector_load %arg20[%get3A_206] {strides = array<i32>} : memref<2048xf32, #tpu.memory_space<vmem>>, vector<16xf32>,
        %get3A_208 = vector.shape_cast %get3A_207 : vector<16xf32> to vector<16xf32>
        %sub3A_209 = arith.subf %get3A_205, %get3A_208 : vector<16xf32>
        %add3A_210 = arith.constant 9.99999997E-7 : f32
        %add3A_211 = vector.broadcast %add3A_210 : f32 to vector<16xf32>
        %add3A_212 = arith.addf %sub3A_209, %add3A_211 : vector<16xf32>
        %get3A_213 = arith.index_cast %multiple_of3A : i32 to index
        %get3A_214 = tpu.vector_load %arg14[%get3A_213] {strides = array<i32>} : memref<2048xf32, #tpu.memory_space<vmem>>, vector<16xf32>,
        %get3A_215 = vector.shape_cast %get3A_214 : vector<16xf32> to vector<16xf32>
        %get3A_216 = arith.index_cast %multiple_of3A : i32 to index
        %get3A_217 = tpu.vector_load %arg21[%get3A_216] {strides = array<i32>} : memref<2048xf32, #tpu.memory_space<vmem>>, vector<16xf32>,
        %get3A_218 = vector.shape_cast %get3A_217 : vector<16xf32> to vector<16xf32>
        %sub3A_219 = arith.subf %get3A_215, %get3A_218 : vector<16xf32>
        %add3A_220 = arith.constant 9.99999997E-7 : f32
        %add3A_221 = vector.broadcast %add3A_220 : f32 to vector<16xf32>
        %add3A_222 = arith.addf %sub3A_219, %add3A_221 : vector<16xf32>
        %mul3A_223 = arith.mulf %add3A_202, %add3A_202 : vector<16xf32>
        %mul3A_224 = arith.mulf %add3A_212, %add3A_212 : vector<16xf32>
        %add3A_225 = arith.addf %mul3A_223, %mul3A_224 : vector<16xf32>
        %mul3A_226 = arith.mulf %add3A_222, %add3A_222 : vector<16xf32>
        %add3A_227 = arith.addf %add3A_225, %mul3A_226 : vector<16xf32>
        %swap3A = arith.constant 0 : i32
        %swap3A_228 = arith.index_cast %swap3A : i32 to index
        %swap3A_229 = arith.constant 0 : index
        %swap3A_230 = tpu.vector_load %arg26[%swap3A_228, %swap3A_229] {strides = array<i32>} : memref<1x16xf32, #tpu.memory_space<vmem>>, vector<1x16xf32>,
        %swap3A_231 = vector.shape_cast %swap3A_230 : vector<1x16xf32> to vector<16xf32>
        %swap3A_232 = vector.shape_cast %add3A_227 : vector<16xf32> to vector<1x16xf32>
        tpu.vector_store %arg26[%swap3A_228, %swap3A_229], %swap3A_232 {strides = array<i32>} : memref<1x16xf32, #tpu.memory_space<vmem>>, vector<1x16xf32>,
        %get3A_233 = arith.constant 0 : i32
        %get3A_234 = tpu.memref_bitcast %arg26 : memref<1x16xf32, #tpu.memory_space<vmem>> -> memref<1x16xi32, #tpu.memory_space<vmem>>
        %get3A_235 = arith.index_cast %get3A_233 : i32 to index
        %get3A_236 = arith.constant 0 : index
        %get3A_237 = tpu.vector_load %get3A_234[%get3A_235, %get3A_236] {strides = array<i32>} : memref<1x16xi32, #tpu.memory_space<vmem>>, vector<1x16xi32>,
        %get3A_238 = vector.shape_cast %get3A_237 : vector<1x16xi32> to vector<16xi32>
        %shift_right_arithmetic3A = arith.constant 1 : i32
        %shift_right_arithmetic3A_239 = vector.broadcast %shift_right_arithmetic3A : i32 to vector<16xi32>
        %shift_right_arithmetic3A_240 = arith.shrsi %get3A_238, %shift_right_arithmetic3A_239 : vector<16xi32>
        %sub3A_241 = arith.constant 1597463007 : i32
        %sub3A_242 = vector.broadcast %sub3A_241 : i32 to vector<16xi32>
        %sub3A_243 = arith.subi %sub3A_242, %shift_right_arithmetic3A_240 : vector<16xi32>
        %swap3A_244 = arith.constant 0 : i32
        %swap3A_245 = tpu.memref_bitcast %arg26 : memref<1x16xf32, #tpu.memory_space<vmem>> -> memref<1x16xi32, #tpu.memory_space<vmem>>
        %swap3A_246 = arith.index_cast %swap3A_244 : i32 to index
        %swap3A_247 = arith.constant 0 : index
        %swap3A_248 = tpu.vector_load %swap3A_245[%swap3A_246, %swap3A_247] {strides = array<i32>} : memref<1x16xi32, #tpu.memory_space<vmem>>, vector<1x16xi32>,
        %swap3A_249 = vector.shape_cast %swap3A_248 : vector<1x16xi32> to vector<16xi32>
        %swap3A_250 = vector.shape_cast %sub3A_243 : vector<16xi32> to vector<1x16xi32>
        tpu.vector_store %swap3A_245[%swap3A_246, %swap3A_247], %swap3A_250 {strides = array<i32>} : memref<1x16xi32, #tpu.memory_space<vmem>>, vector<1x16xi32>,
        %get3A_251 = arith.constant 0 : i32
        %get3A_252 = arith.index_cast %get3A_251 : i32 to index
        %get3A_253 = arith.constant 0 : index
        %get3A_254 = tpu.vector_load %arg26[%get3A_252, %get3A_253] {strides = array<i32>} : memref<1x16xf32, #tpu.memory_space<vmem>>, vector<1x16xf32>,
        %get3A_255 = vector.shape_cast %get3A_254 : vector<1x16xf32> to vector<16xf32>
        %mul3A_256 = arith.constant 5.000000e-01 : f32
        %mul3A_257 = vector.broadcast %mul3A_256 : f32 to vector<16xf32>
        %mul3A_258 = arith.mulf %mul3A_257, %add3A_227 : vector<16xf32>
        %mul3A_259 = arith.mulf %mul3A_258, %get3A_255 : vector<16xf32>
        %mul3A_260 = arith.mulf %mul3A_259, %get3A_255 : vector<16xf32>
        %sub3A_261 = arith.constant 1.500000e+00 : f32
        %sub3A_262 = vector.broadcast %sub3A_261 : f32 to vector<16xf32>
        %sub3A_263 = arith.subf %sub3A_262, %mul3A_260 : vector<16xf32>
        %mul3A_264 = arith.mulf %get3A_255, %sub3A_263 : vector<16xf32>
        %mul3A_265 = arith.constant 5.000000e-01 : f32
        %mul3A_266 = vector.broadcast %mul3A_265 : f32 to vector<16xf32>
        %mul3A_267 = arith.mulf %mul3A_266, %add3A_227 : vector<16xf32>
        %mul3A_268 = arith.mulf %mul3A_267, %mul3A_264 : vector<16xf32>
        %mul3A_269 = arith.mulf %mul3A_268, %mul3A_264 : vector<16xf32>
        %sub3A_270 = arith.constant 1.500000e+00 : f32
        %sub3A_271 = vector.broadcast %sub3A_270 : f32 to vector<16xf32>
        %sub3A_272 = arith.subf %sub3A_271, %mul3A_269 : vector<16xf32>
        %mul3A_273 = arith.mulf %mul3A_264, %sub3A_272 : vector<16xf32>
        %mul3A_274 = arith.constant 5.000000e-01 : f32
        %mul3A_275 = vector.broadcast %mul3A_274 : f32 to vector<16xf32>
        %mul3A_276 = arith.mulf %mul3A_275, %add3A_227 : vector<16xf32>
        %mul3A_277 = arith.mulf %mul3A_276, %mul3A_273 : vector<16xf32>
        %mul3A_278 = arith.mulf %mul3A_277, %mul3A_273 : vector<16xf32>
        %sub3A_279 = arith.constant 1.500000e+00 : f32
        %sub3A_280 = vector.broadcast %sub3A_279 : f32 to vector<16xf32>
        %sub3A_281 = arith.subf %sub3A_280, %mul3A_278 : vector<16xf32>
        %mul3A_282 = arith.mulf %mul3A_273, %sub3A_281 : vector<16xf32>
        %mul3A_283 = arith.mulf %add3A_227, %mul3A_282 : vector<16xf32>
        %sub3A_284 = arith.constant 1.000000e+00 : f32
        %sub3A_285 = vector.broadcast %sub3A_284 : f32 to vector<16xf32>
        %sub3A_286 = arith.subf %sub3A_285, %get3A_192 : vector<16xf32>
        %mul3A_287 = arith.mulf %mul3A_283, %sub3A_286 : vector<16xf32>
        %add3A_288 = arith.addf %scan3A_187, %mul3A_287 : vector<16xf32>
        scf.yield %add3A_288 : vector<16xf32>
      }
      %scan3A_185 = arith.constant 128 : i32
      scf.yield %scan3A_184 : vector<16xf32>
    }
    %scan3A_6 = arith.constant 12 : i32
    %eq3A = arith.constant 0 : i32
    %eq3A_7 = arith.cmpi eq, %add3A, %eq3A : i32
    %convert_element_type3A = arith.extui %eq3A_7 : i1 to i32
    %cond3A = arith.constant 0 : i32
    %cond3A_8 = arith.cmpi ne, %convert_element_type3A, %cond3A : i32
    scf.if %cond3A_8 {
      "tpu.region"() ({
        %run_scoped3A = tpu.sem_alloc : memref<!tpu.dma_semaphore, #tpu.memory_space<semaphore_mem>>
        tpu.enqueue_dma source(%arg5 : memref<3x4x16xf32, #tpu.memory_space<hbm>>) target(%arg24 : memref<3x4x16xf32, #tpu.memory_space<vmem>>) target_semaphore(%run_scoped3A : memref<!tpu.dma_semaphore, #tpu.memory_space<semaphore_mem>>)
        tpu.wait_dma2 semaphore(%run_scoped3A : memref<!tpu.dma_semaphore, #tpu.memory_space<semaphore_mem>>) src(%arg5 : memref<3x4x16xf32, #tpu.memory_space<hbm>>) dst(%arg24 : memref<3x4x16xf32, #tpu.memory_space<vmem>>)
        tpu.yield
      }) : () -> ()
      %get3A = arith.constant 0 : i32
      %get3A_13 = arith.constant 0 : i32
      %get3A_14 = arith.index_cast %get3A : i32 to index
      %get3A_15 = arith.index_cast %get3A_13 : i32 to index
      %get3A_16 = arith.constant 0 : index
      %get3A_17 = tpu.vector_load %arg24[%get3A_14, %get3A_15, %get3A_16] {strides = array<i32>} : memref<3x4x16xf32, #tpu.memory_space<vmem>>, vector<1x1x16xf32>,
      %get3A_18 = vector.shape_cast %get3A_17 : vector<1x1x16xf32> to vector<16xf32>
      %get3A_19 = arith.constant 0 : i32
      %get3A_20 = arith.constant 1 : i32
      %get3A_21 = arith.index_cast %get3A_19 : i32 to index
      %get3A_22 = arith.index_cast %get3A_20 : i32 to index
      %get3A_23 = arith.constant 0 : index
      %get3A_24 = tpu.vector_load %arg24[%get3A_21, %get3A_22, %get3A_23] {strides = array<i32>} : memref<3x4x16xf32, #tpu.memory_space<vmem>>, vector<1x1x16xf32>,
      %get3A_25 = vector.shape_cast %get3A_24 : vector<1x1x16xf32> to vector<16xf32>
      %get3A_26 = arith.constant 0 : i32
      %get3A_27 = arith.constant 2 : i32
      %get3A_28 = arith.index_cast %get3A_26 : i32 to index
      %get3A_29 = arith.index_cast %get3A_27 : i32 to index
      %get3A_30 = arith.constant 0 : index
      %get3A_31 = tpu.vector_load %arg24[%get3A_28, %get3A_29, %get3A_30] {strides = array<i32>} : memref<3x4x16xf32, #tpu.memory_space<vmem>>, vector<1x1x16xf32>,
      %get3A_32 = vector.shape_cast %get3A_31 : vector<1x1x16xf32> to vector<16xf32>
      %get3A_33 = arith.constant 1 : i32
      %get3A_34 = arith.constant 0 : i32
      %get3A_35 = arith.index_cast %get3A_33 : i32 to index
      %get3A_36 = arith.index_cast %get3A_34 : i32 to index
      %get3A_37 = arith.constant 0 : index
      %get3A_38 = tpu.vector_load %arg24[%get3A_35, %get3A_36, %get3A_37] {strides = array<i32>} : memref<3x4x16xf32, #tpu.memory_space<vmem>>, vector<1x1x16xf32>,
      %get3A_39 = vector.shape_cast %get3A_38 : vector<1x1x16xf32> to vector<16xf32>
      %get3A_40 = arith.constant 1 : i32
      %get3A_41 = arith.constant 1 : i32
      %get3A_42 = arith.index_cast %get3A_40 : i32 to index
      %get3A_43 = arith.index_cast %get3A_41 : i32 to index
      %get3A_44 = arith.constant 0 : index
      %get3A_45 = tpu.vector_load %arg24[%get3A_42, %get3A_43, %get3A_44] {strides = array<i32>} : memref<3x4x16xf32, #tpu.memory_space<vmem>>, vector<1x1x16xf32>,
      %get3A_46 = vector.shape_cast %get3A_45 : vector<1x1x16xf32> to vector<16xf32>
      %get3A_47 = arith.constant 1 : i32
      %get3A_48 = arith.constant 2 : i32
      %get3A_49 = arith.index_cast %get3A_47 : i32 to index
      %get3A_50 = arith.index_cast %get3A_48 : i32 to index
      %get3A_51 = arith.constant 0 : index
      %get3A_52 = tpu.vector_load %arg24[%get3A_49, %get3A_50, %get3A_51] {strides = array<i32>} : memref<3x4x16xf32, #tpu.memory_space<vmem>>, vector<1x1x16xf32>,
      %get3A_53 = vector.shape_cast %get3A_52 : vector<1x1x16xf32> to vector<16xf32>
      %get3A_54 = arith.constant 2 : i32
      %get3A_55 = arith.constant 0 : i32
      %get3A_56 = arith.index_cast %get3A_54 : i32 to index
      %get3A_57 = arith.index_cast %get3A_55 : i32 to index
      %get3A_58 = arith.constant 0 : index
      %get3A_59 = tpu.vector_load %arg24[%get3A_56, %get3A_57, %get3A_58] {strides = array<i32>} : memref<3x4x16xf32, #tpu.memory_space<vmem>>, vector<1x1x16xf32>,
      %get3A_60 = vector.shape_cast %get3A_59 : vector<1x1x16xf32> to vector<16xf32>
      %get3A_61 = arith.constant 2 : i32
      %get3A_62 = arith.constant 1 : i32
      %get3A_63 = arith.index_cast %get3A_61 : i32 to index
      %get3A_64 = arith.index_cast %get3A_62 : i32 to index
      %get3A_65 = arith.constant 0 : index
      %get3A_66 = tpu.vector_load %arg24[%get3A_63, %get3A_64, %get3A_65] {strides = array<i32>} : memref<3x4x16xf32, #tpu.memory_space<vmem>>, vector<1x1x16xf32>,
      %get3A_67 = vector.shape_cast %get3A_66 : vector<1x1x16xf32> to vector<16xf32>
      %get3A_68 = arith.constant 2 : i32
      %get3A_69 = arith.constant 2 : i32
      %get3A_70 = arith.index_cast %get3A_68 : i32 to index
      %get3A_71 = arith.index_cast %get3A_69 : i32 to index
      %get3A_72 = arith.constant 0 : index
      %get3A_73 = tpu.vector_load %arg24[%get3A_70, %get3A_71, %get3A_72] {strides = array<i32>} : memref<3x4x16xf32, #tpu.memory_space<vmem>>, vector<1x1x16xf32>,
      %get3A_74 = vector.shape_cast %get3A_73 : vector<1x1x16xf32> to vector<16xf32>
      %mul3A_75 = arith.mulf %get3A_18, %get3A_18 : vector<16xf32>
      %mul3A_76 = arith.mulf %get3A_25, %get3A_25 : vector<16xf32>
      %add3A_77 = arith.addf %mul3A_75, %mul3A_76 : vector<16xf32>
      %mul3A_78 = arith.mulf %get3A_32, %get3A_32 : vector<16xf32>
      %add3A_79 = arith.addf %add3A_77, %mul3A_78 : vector<16xf32>
      %max3A = arith.constant 1.000000e-24 : f32
      %max3A_80 = vector.broadcast %max3A : f32 to vector<16xf32>
      %max3A_81 = arith.maximumf %add3A_79, %max3A_80 : vector<16xf32>
      %div3A = arith.constant 1.000000e+00 : f32
      %div3A_82 = vector.broadcast %div3A : f32 to vector<16xf32>
      %div3A_83 = arith.divf %div3A_82, %max3A_81 : vector<16xf32>
      %mul3A_84 = arith.mulf %get3A_39, %get3A_39 : vector<16xf32>
      %mul3A_85 = arith.mulf %get3A_46, %get3A_46 : vector<16xf32>
      %add3A_86 = arith.addf %mul3A_84, %mul3A_85 : vector<16xf32>
      %mul3A_87 = arith.mulf %get3A_53, %get3A_53 : vector<16xf32>
      %add3A_88 = arith.addf %add3A_86, %mul3A_87 : vector<16xf32>
      %max3A_89 = arith.constant 1.000000e-24 : f32
      %max3A_90 = vector.broadcast %max3A_89 : f32 to vector<16xf32>
      %max3A_91 = arith.maximumf %add3A_88, %max3A_90 : vector<16xf32>
      %div3A_92 = arith.constant 1.000000e+00 : f32
      %div3A_93 = vector.broadcast %div3A_92 : f32 to vector<16xf32>
      %div3A_94 = arith.divf %div3A_93, %max3A_91 : vector<16xf32>
      %mul3A_95 = arith.mulf %get3A_60, %get3A_60 : vector<16xf32>
      %mul3A_96 = arith.mulf %get3A_67, %get3A_67 : vector<16xf32>
      %add3A_97 = arith.addf %mul3A_95, %mul3A_96 : vector<16xf32>
      %mul3A_98 = arith.mulf %get3A_74, %get3A_74 : vector<16xf32>
      %add3A_99 = arith.addf %add3A_97, %mul3A_98 : vector<16xf32>
      %max3A_100 = arith.constant 1.000000e-24 : f32
      %max3A_101 = vector.broadcast %max3A_100 : f32 to vector<16xf32>
      %max3A_102 = arith.maximumf %add3A_99, %max3A_101 : vector<16xf32>
      %div3A_103 = arith.constant 1.000000e+00 : f32
      %div3A_104 = vector.broadcast %div3A_103 : f32 to vector<16xf32>
      %div3A_105 = arith.divf %div3A_104, %max3A_102 : vector<16xf32>
      %broadcast_in_dim3A_106 = arith.constant 0.000000e+00 : f32
      %broadcast_in_dim3A_107 = vector.broadcast %broadcast_in_dim3A_106 : f32 to vector<16xf32>
      %mul3A_108 = arith.mulf %get3A_18, %get3A_18 : vector<16xf32>
      %mul3A_109 = arith.mulf %mul3A_108, %div3A_83 : vector<16xf32>
      %sub3A = arith.constant 1.000000e+00 : f32
      %sub3A_110 = vector.broadcast %sub3A : f32 to vector<16xf32>
      %sub3A_111 = arith.subf %mul3A_109, %sub3A_110 : vector<16xf32>
      %mul3A_112 = arith.mulf %sub3A_111, %sub3A_111 : vector<16xf32>
      %add3A_113 = arith.addf %broadcast_in_dim3A_107, %mul3A_112 : vector<16xf32>
      %mul3A_114 = arith.mulf %get3A_25, %get3A_39 : vector<16xf32>
      %mul3A_115 = arith.constant 2.000000e+00 : f32
      %mul3A_116 = vector.broadcast %mul3A_115 : f32 to vector<16xf32>
      %mul3A_117 = arith.mulf %mul3A_116, %mul3A_114 : vector<16xf32>
      %mul3A_118 = arith.mulf %mul3A_117, %mul3A_114 : vector<16xf32>
      %mul3A_119 = arith.mulf %div3A_83, %div3A_94 : vector<16xf32>
      %mul3A_120 = arith.mulf %mul3A_118, %mul3A_119 : vector<16xf32>
      %add3A_121 = arith.addf %add3A_113, %mul3A_120 : vector<16xf32>
      %mul3A_122 = arith.mulf %get3A_32, %get3A_60 : vector<16xf32>
      %mul3A_123 = arith.constant 2.000000e+00 : f32
      %mul3A_124 = vector.broadcast %mul3A_123 : f32 to vector<16xf32>
      %mul3A_125 = arith.mulf %mul3A_124, %mul3A_122 : vector<16xf32>
      %mul3A_126 = arith.mulf %mul3A_125, %mul3A_122 : vector<16xf32>
      %mul3A_127 = arith.mulf %div3A_83, %div3A_105 : vector<16xf32>
      %mul3A_128 = arith.mulf %mul3A_126, %mul3A_127 : vector<16xf32>
      %add3A_129 = arith.addf %add3A_121, %mul3A_128 : vector<16xf32>
      %mul3A_130 = arith.mulf %get3A_46, %get3A_46 : vector<16xf32>
      %mul3A_131 = arith.mulf %mul3A_130, %div3A_94 : vector<16xf32>
      %sub3A_132 = arith.constant 1.000000e+00 : f32
      %sub3A_133 = vector.broadcast %sub3A_132 : f32 to vector<16xf32>
      %sub3A_134 = arith.subf %mul3A_131, %sub3A_133 : vector<16xf32>
      %mul3A_135 = arith.mulf %sub3A_134, %sub3A_134 : vector<16xf32>
      %add3A_136 = arith.addf %add3A_129, %mul3A_135 : vector<16xf32>
      %mul3A_137 = arith.mulf %get3A_53, %get3A_67 : vector<16xf32>
      %mul3A_138 = arith.constant 2.000000e+00 : f32
      %mul3A_139 = vector.broadcast %mul3A_138 : f32 to vector<16xf32>
      %mul3A_140 = arith.mulf %mul3A_139, %mul3A_137 : vector<16xf32>
      %mul3A_141 = arith.mulf %mul3A_140, %mul3A_137 : vector<16xf32>
      %mul3A_142 = arith.mulf %div3A_94, %div3A_105 : vector<16xf32>
      %mul3A_143 = arith.mulf %mul3A_141, %mul3A_142 : vector<16xf32>
      %add3A_144 = arith.addf %add3A_136, %mul3A_143 : vector<16xf32>
      %mul3A_145 = arith.mulf %get3A_74, %get3A_74 : vector<16xf32>
      %mul3A_146 = arith.mulf %mul3A_145, %div3A_105 : vector<16xf32>
      %sub3A_147 = arith.constant 1.000000e+00 : f32
      %sub3A_148 = vector.broadcast %sub3A_147 : f32 to vector<16xf32>
      %sub3A_149 = arith.subf %mul3A_146, %sub3A_148 : vector<16xf32>
      %mul3A_150 = arith.mulf %sub3A_149, %sub3A_149 : vector<16xf32>
      %add3A_151 = arith.addf %add3A_144, %mul3A_150 : vector<16xf32>
      %mul3A_152 = arith.constant 2.500000e+01 : f32
      %mul3A_153 = vector.broadcast %mul3A_152 : f32 to vector<16xf32>
      %mul3A_154 = arith.mulf %mul3A_153, %add3A_151 : vector<16xf32>
      %add3A_155 = arith.addf %scan3A_5, %mul3A_154 : vector<16xf32>
      %mul3A_156 = arith.constant 6.250000e-02 : f32
      %mul3A_157 = vector.broadcast %mul3A_156 : f32 to vector<16xf32>
      %mul3A_158 = arith.mulf %add3A_155, %mul3A_157 : vector<16xf32>
      %swap3A = arith.constant 0 : index
      %swap3A_159 = tpu.vector_load %arg25[%swap3A] {strides = array<i32>} : memref<16xf32, #tpu.memory_space<vmem>>, vector<16xf32>,
      %swap3A_160 = vector.shape_cast %swap3A_159 : vector<16xf32> to vector<16xf32>
      %swap3A_161 = vector.shape_cast %mul3A_158 : vector<16xf32> to vector<16xf32>
      tpu.vector_store %arg25[%swap3A], %swap3A_161 {strides = array<i32>} : memref<16xf32, #tpu.memory_space<vmem>>, vector<16xf32>,
    } else {
    }
    %ne3A = arith.constant 0 : i32
    %ne3A_9 = arith.cmpi ne, %add3A, %ne3A : i32
    %convert_element_type3A_10 = arith.extui %ne3A_9 : i1 to i32
    %cond3A_11 = arith.constant 0 : i32
    %cond3A_12 = arith.cmpi ne, %convert_element_type3A_10, %cond3A_11 : i32
    scf.if %cond3A_12 {
      %mul3A_13 = arith.constant 6.250000e-02 : f32
      %mul3A_14 = vector.broadcast %mul3A_13 : f32 to vector<16xf32>
      %mul3A_15 = arith.mulf %scan3A_5, %mul3A_14 : vector<16xf32>
      %swap3A = arith.constant 0 : index
      %swap3A_16 = tpu.vector_load %arg25[%swap3A] {strides = array<i32>} : memref<16xf32, #tpu.memory_space<vmem>>, vector<16xf32>,
      %swap3A_17 = vector.shape_cast %swap3A_16 : vector<16xf32> to vector<16xf32>
      %swap3A_18 = vector.shape_cast %mul3A_15 : vector<16xf32> to vector<16xf32>
      tpu.vector_store %arg25[%swap3A], %swap3A_18 {strides = array<i32>} : memref<16xf32, #tpu.memory_space<vmem>>, vector<16xf32>,
    } else {
    }
    "tpu.region"() ({
      %run_scoped3A = tpu.sem_alloc : memref<!tpu.dma_semaphore, #tpu.memory_space<semaphore_mem>>
      %dma_start3A = arith.constant 0 : i32
      %dma_start3A_13 = tpu.memref_slice %arg8[%add3A, %dma_start3A] : memref<32x16xf32, #tpu.memory_space<hbm>> -> memref<1x16xf32, #tpu.memory_space<hbm>>
      %dma_start3A_14 = tpu.memref_squeeze %dma_start3A_13 : memref<1x16xf32, #tpu.memory_space<hbm>> -> memref<16xf32, #tpu.memory_space<hbm>>
      %dma_start3A_15 = arith.constant 0 : i32
      %dma_start3A_16 = tpu.memref_slice %arg8[%add3A, %dma_start3A_15] : memref<32x16xf32, #tpu.memory_space<hbm>> -> memref<1x16xf32, #tpu.memory_space<hbm>>
      %dma_start3A_17 = tpu.memref_squeeze %dma_start3A_16 : memref<1x16xf32, #tpu.memory_space<hbm>> -> memref<16xf32, #tpu.memory_space<hbm>>
      tpu.enqueue_dma source(%arg25 : memref<16xf32, #tpu.memory_space<vmem>>) target(%dma_start3A_17 : memref<16xf32, #tpu.memory_space<hbm>>) target_semaphore(%run_scoped3A : memref<!tpu.dma_semaphore, #tpu.memory_space<semaphore_mem>>)
      %dma_wait3A = arith.constant 0 : i32
      %dma_wait3A_18 = tpu.memref_slice %arg8[%add3A, %dma_wait3A] : memref<32x16xf32, #tpu.memory_space<hbm>> -> memref<1x16xf32, #tpu.memory_space<hbm>>
      %dma_wait3A_19 = tpu.memref_squeeze %dma_wait3A_18 : memref<1x16xf32, #tpu.memory_space<hbm>> -> memref<16xf32, #tpu.memory_space<hbm>>
      %dma_wait3A_20 = arith.constant 0 : i32
      %dma_wait3A_21 = tpu.memref_slice %arg8[%add3A, %dma_wait3A_20] : memref<32x16xf32, #tpu.memory_space<hbm>> -> memref<1x16xf32, #tpu.memory_space<hbm>>
      %dma_wait3A_22 = tpu.memref_squeeze %dma_wait3A_21 : memref<1x16xf32, #tpu.memory_space<hbm>> -> memref<16xf32, #tpu.memory_space<hbm>>
      tpu.wait_dma2 semaphore(%run_scoped3A : memref<!tpu.dma_semaphore, #tpu.memory_space<semaphore_mem>>) src(%arg25 : memref<16xf32, #tpu.memory_space<vmem>>) dst(%dma_wait3A_22 : memref<16xf32, #tpu.memory_space<hbm>>)
      tpu.yield
    }) : () -> ()
    return
  }
}

</mosaic_0001>

<sc_bundles>
// kernel: _sc_loss.3.cloned.1.call-start
scs
__scs_entry_jumppad:
0x0: {  	(pc) =	sbr.rel $0x88, $3  }
0x1: {  	(tag) =	ssettag $0x0;
	lr =	simm.s32 $0x1  }
0x2: {  	[smem:$0x3F9B] =	sst lr;
	_ =	strace $0xD0000000  }
0x3: {  	_ = 	snop  }
0x4: {  	_ = 	snop  }
0x5: {  	_ = 	snop  }
0x6: {  	_ = 	snop  }
0x7: {  	_ = 	snop  }
__scs_overlays_trampoline_lowered:
0x8: {  	[smem:$0x3FAA] =	sst s0  }
0x9: {  	[smem:$0x3FAB] =	sst s1  }
0xa: {  	[smem:$0x3FAC] =	sst s2  }
0xb: {  	[smem:$0x3FAD] =	sst s3  }
0xc: {  	[smem:$0x3FAE] =	sst s4  }
0xd: {  	[smem:$0x3FAF] =	sst s5  }
0xe: {  	[smem:$0x3FB0] =	sst s6  }
0xf: {  	[smem:$0x3FB1] =	sst s7  }
0x10: {  	[smem:$0x3FB2] =	sst s8  }
0x11: {  	[smem:$0x3FB3] =	sst s9;
	s0 =	simm.s32 @!p0 $0x0  }
0x12: {  	s1 =	sld [smem:$0x3F99];
	s0 =	simm.s32 @p0 $0x1  }
0x13: {  	[smem:$0x3FB4] =	sst s0;
	s0 =	simm.s32 @!p1 $0x0  }
0x14: {  	s2 =	sld [smem:$0x3F98];
	s0 =	simm.s32 @p1 $0x1  }
0x15: {  	[smem:$0x3FB5] =	sst s0;
	s0 =	simm.s32 @!p2 $0x0  }
0x16: {  	s3 =	sld [smem:$0x3FDB];
	s0 =	simm.s32 @p2 $0x1  }
0x17: {  	s4 =	simm.s32 $0x1BF5;
	[smem:$0x3FB7] =	sst s0  }
0x18: {  	s0 =	sld [smem:$0x3F9A];
	_ =	swait.ge [sflag:s4], $0x0  }
0x19: {  	s7 =	sld [smem:$0x3F9B]  }
0x1a: {  	s8 =	sadd.s32 $0xFFFFE003, lr  }
0x1b: {  	s9 =	sadd.s32 $0xFFFFFEF7, lr;
	s5 =	simm.s32 $0xFFFFFFFF;
	p2 =	slt.u32 s8, $0xFFFFF086  }
0x1c: {  	p1 =	slt.u32 s9, $0xF7A;
	s5 =	simm.s32 @!p2 $0x0  }
0x1d: {  	s5 =	simm.s32 @p1 $0x1;
	p0 =	seq.s32 s7, s2  }
0x1e: {  	s7 =	smul.u32 @!p0 $0xF7A, s2;
	p2 =	seq.s32 @!p0 s5, $0x0  }
0x1f: {  	s9 =	smul.u32 $0xF7A, s1;
	s8 =	simm.s32 @!p0 $0x1BF5;
	p2 =	por !p2, p0  }
0x20: {  	[sflag:s8] =	ssyncset.s32 @!p0 $0xFFFFF086;
	s6 =	sadd.s32 @!p0 s3, s7;
	s7 =	simm.s32 @!p0 $0x108  }
0x21: {  	s3 =	sadd.s32 s3, s9;
	s6 =	sadd.s32 @!p0 $0x88, s6;
	s7 =	simm.s32 @p2 $0x1082  }
0x22: {  	[simem:s7], [sflag:s8] =	dma.local @!p0 [hbm:s6], $0xF7A  }
0x23: {  	s9 =	sor.u32 $0xD0000000, s2;
	s6 =	simm.s32 $0x108;
	_ =	swait.ge @!p0 [sflag:s8], $0x0  }
0x24: {  	s3 =	sadd.s32 $0x88, s3;
	s6 =	simm.s32 @!p1 $0x1082;
	[sflag:s4] =	ssyncset.s32 $0xFFFFF086  }
0x25: {  	[simem:s6], [sflag:s4] =	dma.local [hbm:s3], $0xF7A  }
0x26: {  	[smem:$0x3F9B] =	sst s1;
	(tag) =	ssettag s2;
	_ =	strace s9  }
0x27: {  	s1 =	sld [smem:$0x3FAB]  }
0x28: {  	s2 =	sld [smem:$0x3FAC]  }
0x29: {  	s4 =	sld [smem:$0x3FAE]  }
0x2a: {  	p0 =	seq.s32 s5, $0x0;
	s5 =	sld [smem:$0x3FAF]  }
0x2b: {  	s6 =	sld [smem:$0x3FB0]  }
0x2c: {  	s7 =	sld [smem:$0x3FB1]  }
0x2d: {  	s3 =	simm.s32 $0x108;
	s8 =	sld [smem:$0x3FB2]  }
0x2e: {  	s3 =	simm.s32 @!p0 $0x1082;
	s9 =	sld [smem:$0x3FB3]  }
0x2f: {  	lr =	sadd.s32 s0, s3;
	s0 =	sld [smem:$0x3FAA]  }
0x30: {  	s3 =	sld [smem:$0x3FAD]  }
0x31: {  	[smem:$0x3FB6] =	sst s10  }
0x32: {  	s10 =	sld [smem:$0x3FB4];
	_ =	sdelay $0x3  }
0x33: {  	p0 =	seq.s32 s10, $0x1;
	s10 =	sld [smem:$0x3FB6];
	_ =	sdelay $0x3  }
0x34: {  	[smem:$0x3FB6] =	sst s10  }
0x35: {  	s10 =	sld [smem:$0x3FB5];
	_ =	sdelay $0x3  }
0x36: {  	p1 =	seq.s32 s10, $0x1;
	s10 =	sld [smem:$0x3FB6];
	_ =	sdelay $0x3  }
0x37: {  	[smem:$0x3FB6] =	sst s10  }
0x38: {  	s10 =	sld [smem:$0x3FB7]  }
0x39: {  	_ = 	snop;
	(pc) =	sbr.ind lr, $3  }
0x3a: {  	_ = 	snop  }
0x3b: {  	_ = 	snop  }
0x3c: {  	p2 =	seq.s32 s10, $0x1;
	s10 =	sld [smem:$0x3FB6]  }
0x3d: {  	_ =	shalt  }
0x3e: {  	_ =	shalt  }
0x3f: {  	_ =	shalt  }
0x40: {  	_ =	shalt  }
0x41: {  	_ =	shalt  }
0x42: {  	_ =	shalt  }
0x43: {  	_ =	shalt  }
0x44: {  	_ =	shalt  }
0x45: {  	_ =	shalt  }
0x46: {  	_ =	shalt  }
0x47: {  	_ =	shalt  }
0x48: {  	_ =	shalt  }
0x49: {  	_ =	shalt  }
0x4a: {  	_ =	shalt  }
0x4b: {  	_ =	shalt  }
0x4c: {  	_ =	shalt  }
0x4d: {  	_ =	shalt  }
0x4e: {  	_ =	shalt  }
0x4f: {  	_ =	shalt  }
0x50: {  	_ =	shalt  }
0x51: {  	_ =	shalt  }
0x52: {  	_ =	shalt  }
0x53: {  	_ =	shalt  }
0x54: {  	_ =	shalt  }
0x55: {  	_ =	shalt  }
0x56: {  	_ =	shalt  }
0x57: {  	_ =	shalt  }
0x58: {  	_ =	shalt  }
0x59: {  	_ =	shalt  }
0x5a: {  	_ =	shalt  }
0x5b: {  	_ =	shalt  }
0x5c: {  	_ =	shalt  }
0x5d: {  	_ =	shalt  }
0x5e: {  	_ =	shalt  }
0x5f: {  	_ =	shalt  }
0x60: {  	_ =	shalt  }
0x61: {  	_ =	shalt  }
0x62: {  	_ =	shalt  }
0x63: {  	_ =	shalt  }
0x64: {  	_ =	shalt  }
0x65: {  	_ =	shalt  }
0x66: {  	_ =	shalt  }
0x67: {  	_ =	shalt  }
0x68: {  	_ =	shalt  }
0x69: {  	_ =	shalt  }
0x6a: {  	_ =	shalt  }
0x6b: {  	_ =	shalt  }
0x6c: {  	_ =	shalt  }
0x6d: {  	_ =	shalt  }
0x6e: {  	_ =	shalt  }
0x6f: {  	_ =	shalt  }
0x70: {  	_ =	shalt  }
0x71: {  	_ =	shalt  }
0x72: {  	_ =	shalt  }
0x73: {  	_ =	shalt  }
0x74: {  	_ =	shalt  }
0x75: {  	_ =	shalt  }
0x76: {  	_ =	shalt  }
0x77: {  	_ =	shalt  }
0x78: {  	_ =	shalt  }
0x79: {  	_ =	shalt  }
0x7a: {  	_ =	shalt  }
0x7b: {  	_ =	shalt  }
0x7c: {  	_ =	shalt  }
0x7d: {  	_ =	shalt  }
0x7e: {  	_ =	shalt  }
0x7f: {  	_ =	shalt  }
0x80: {  	_ =	shalt  }
0x81: {  	_ =	shalt  }
0x82: {  	_ =	shalt  }
0x83: {  	_ =	shalt  }
0x84: {  	_ =	shalt  }
0x85: {  	_ =	shalt  }
0x86: {  	_ =	shalt  }
0x87: {  	_ =	shalt  }
.Lfunc_end0:
.L_simem_size_0:
called_computation_lowered:
.L_overlay_start_0:
0x88: {  	s2 =	sld [smem:$0x3FD9]  }
0x89: {  	s3 =	sld [smem:$0x3FFE];
	_ =	sdelay $0x1  }
0x8a: {  	s1 =	srdreg.scid  }
0x8b: {  	s0 =	sand.u32 $0x1, s1  }
0x8c: {  	s17 =	sshll.u32 s0, $0xA;
	s2 =	sadd.s32 s3, s2  }
0x8d: {  	s2 =	sadd.s32 s2, s17  }
0x8e: {  	[smem:$0x3FC2] =	sst s2  }
0x8f: {  	_ = 	snop  }
0x90: {  	s2 =	sld [smem:$0x3FC9]  }
0x91: {  	s18 =	sld [smem:$0x3FC8]  }
0x92: {  	s4 =	sld [smem:$0x3FC6]  }
0x93: {  	s5 =	sld [smem:$0x3FC5]  }
0x94: {  	s6 =	sld [smem:$0x3FC4];
	(tm) =	ssettm $0x1  }
0x95: {  	s7 =	sld [smem:$0x3FFB];
	_ =	sdelay $0x3  }
0x96: {  	_ =	strace s7  }
0x97: {  	s7 =	sld [smem:$0x3FFC];
	_ =	sdelay $0x3  }
0x98: {  	_ =	strace s7  }
0x99: {  	s7 =	sld [smem:$0x3FFD];
	_ =	sdelay $0x3  }
0x9a: {  	_ =	strace s7  }
0x9b: {  	_ =	strace $0x8FFFFFFF  }
0x9c: {  	s19 =	sld [smem:$0x3FDB];
	_ =	sdelay $0x1  }
0x9d: {  	s8 =	simm.s32 $_scs_section_size  }
0x9e: {  	s9 =	simm.s32 $_size__tile_overlayer_lowered;
	s10 =	simm.s32 $_tile_overlayer_lowered  }
0x9f: {  	s22 =	simm.s32 $0x1BFF;
	s21 =	sshll.u32 s10, $0x1;
	s7 =	sadd.s32 s8, s19  }
0xa0: {  	s11 =	simm.s32 $0x0;
	s20 =	sshll.u32 s9, $0x1;
	s9 =	sadd.s32 s21, s7  }
0xa1: {  	[timem:s11], [sflag:s22] =	dma.local [hbm:s9], s20  }
0xa2: {  	_ =	swait.ge [sflag:s22], s20  }
0xa3: {  	s8 =	ssub.s32 $0x0, s20;
	[sflag:s22] =	ssyncset.done $0x0  }
0xa4: {  	[sflag:s22] =	ssyncadd.s32 s8;
	_ =	sdelay $0x1  }
0xa5: {  	s23 =	simm.s32 $0x1B8B  }
0xa6: {  	_ =	swait.ge [sflag:s23], $0x1  }
0xa7: {  	[sflag:s23] =	ssyncset.done $0x0  }
0xa8: {  	s25 =	simm.s32 $0x1B8E;
	s24 =	sld [smem:$0x3FFE];
	[sflag:s23] =	ssyncadd.s32 $0xFFFFFFFF  }
0xa9: {  	s26 =	simm.s32 $execute0_lowered;
	[smem:$0x3FD2] =	sst s25  }
0xaa: {  	s9 =	sshll.u32 s26, $0x1;
	_ =	strace $0x80000046;
	[dreg:$0x1] =	wrdreg $0xFFFFFFFF  }
0xab: {  	s28 =	simm.s32 $_size_execute0_lowered;
	s7 =	sadd.s32 s7, s9;
	[dreg:$0x0] =	wrdreg $0x0  }
0xac: {  	s9 =	sshll.u32 s28, $0x1;
	[dreg:$0x2] =	wrdreg s7  }
0xad: {  	[dreg:$0x3] =	wrdreg s9  }
0xae: {  	[dreg:$0x4] =	wrdreg $0xC0  }
0xaf: {  	_ =	task [dreg:s11], $0x5FFFF  }
0xb0: {  	[dreg:$0x1] =	wrdreg $0xFFFFFFFF  }
0xb1: {  	[dreg:$0x0] =	wrdreg $0x60  }
0xb2: {  	[dreg:$0x2] =	wrdreg s2  }
0xb3: {  	[dreg:$0x3] =	wrdreg s18  }
0xb4: {  	[dreg:$0x4] =	wrdreg s24  }
0xb5: {  	[dreg:$0x5] =	wrdreg s4  }
0xb6: {  	[dreg:$0x6] =	wrdreg s5  }
0xb7: {  	[dreg:$0x7] =	wrdreg s6  }
0xb8: {  	[dreg:$0x8] =	wrdreg $0x9  }
0xb9: {  	_ =	task.clear_ibuf [dreg:s11], $0x9FFFF;
	_ =	strace $0x90000046  }
0xba: {  	s29 =	simm.s32 $0x9;
	_ =	strace $0x80000048  }
0xbb: {  	_ =	swait.ge [sflag:s29], $0x1  }
0xbc: {  	[sflag:s29] =	ssyncadd.s32 $0xFFFFFFFF  }
0xbd: {  	_ =	strace $0x90000048  }
0xbe: {  	_ =	sfence  }
0xbf: {  	s30 =	sld [smem:$0x0];
	_ =	sdelay $0x2  }
0xc0: {  	s31 =	sshll.u32 s1, $0xD;
	s1 =	sshrl.u32 s1, $0x2  }
0xc1: {  	s3 =	sand.u32 $0x4000, s31;
	s1 =	sadd.s32 s1, s30  }
0xc2: {  	s0 =	sor.u32 s3, s0;
	s1 =	sshll.u32 s1, $0x11  }
0xc3: {  	s0 =	sor.u32 s1, s0  }
0xc4: {  	s0 =	sadd.s32 $0x8F2B, s0  }
0xc5: {  	[sflag:s0] =	ssyncadd.remote.s32 $0x1  }
0xc6: {  	_ =	sfence.sel $0xFFFF  }
0xc7: {  	[dreg:$0x0] =	wrdreg $0xFFFFFFFF;
	(pc) =	sbr.abs _section_cstart, $3  }
0xc8: {  	[dreg:$0x1] =	wrdreg $0xFFFFFFFF  }
0xc9: {  	_ =	task.clear_ibuf [dreg:s11], $0x2FFFF;
	_ =	strace $0x9FFFFFFF  }
0xca: {  	(tm) =	ssettm $0x7FFFFFFF  }
0xcb: {  	_ =	shalt  }
tec
execute0_lowered:
.L_overlay_start_1:
0x0: {  	(tag) =	ssettag $0x1  }
0x1: {  	s1 =	rddreg [dreg:$0x0]  }
0x2: {  	s2 =	rddreg [dreg:$0x1]  }
0x3: {  	s0 =	rddreg [dreg:$0x2]  }
0x4: {  	s5 =	rddreg [dreg:$0x4]  }
0x5: {  	s6 =	rddreg [dreg:$0x5]  }
0x6: {  	s3 =	srdreg.scid;
	s4 =	stileid.u32;
	s7 =	simm.s32 $0x0  }
0x7: {  	s15 =	simm.s32 $0x1;
	s16 =	simm.s32 $0x7000;
	s17 =	simm.s32 $0x2  }
0x8: {  	s18 =	simm.s32 $0x3000;
	s19 =	simm.s32 $0x3800;
	s20 =	simm.s32 $0x4000  }
0x9: {  	s21 =	simm.s32 $0x800;
	s22 =	simm.s32 $0x1000;
	s23 =	simm.s32 $0x5000  }
0xa: {  	s24 =	simm.s32 $0x5800;
	s25 =	simm.s32 $0x6000;
	s26 =	simm.s32 $0x4800  }
0xb: {  	s28 =	simm.s32 $0x6800;
	s31 =	simm.s32 $0x0;
	s3 =	sand.u32 $0x1, s3  }
0xc: {  	s4 =	sshll.u32 s4, $0x1;
	[smem:$0x7FF] =	sst s7;
	s9 =	sadd.s32 $0x400, s0  }
.Ltmp0:
0xd: {  	s11 =	sadd.s32 $0x8000, s2;
	s12 =	sadd.s32 $0x10000, s2;
	(pc) =	sbr.rel .LBB2_1-.Ltmp0, $4  }
0xe: {  	s8 =	sor.u32 s3, s4;
	_ =	strace $0x80000047;
	s10 =	ssub.s32 $0x2, s3  }
0xf: {  	p0 =	seq.s32 s3, $0x1;
	s4 =	sshll.u32 s8, $0x4;
	s30 =	sshrl.u32 s10, $0x1  }
0x10: {  	p1 =	sne.s32 s8, $0x0;
	s0 =	sadd.s32 s4, s0;
	s4 =	ssub.s32 s10, s30  }
0x11: {  	s10 =	sshll.u32 s3, $0xA;
	s13 =	sadd.s32 $0x1000, s0;
	s14 =	smax.u32 s4, $0x1  }
.LBB2_9:
0x12: {  	v0 =	vmul.f32 $6.250000000e-02, v0;
	s31 =	sadd.s32 $0x1, s31  }
0x13: {  	p2 =	sne.s32 s31, s14  }
.Ltmp1:
0x14: {  	s0 =	simm.s32 $0x7800;
	[tilespmem:$0x7800] =	vst v0;
	(pc) =	sbr.rel @!p2 .LBB2_10-.Ltmp1, $4  }
0x15: {  	[hbm4b:s13+s7] =	stream.linear.scatter [tilespmem:s0], [sflag:$0x2], $0x80, $0x38;
	[tilespmem:$0x7900] =	vst v63  }
0x16: {  	_ =	swait.ge [sflag:s17], $0x80  }
0x17: {  	[sflag:s17] =	ssyncset.done $0x0  }
0x18: {  	[sflag:s17] =	ssyncadd.s32 $0xFFFFFF80  }
.LBB2_1:
0x19: {  	v0 =	vimm.f32 $0.0e+00;
	s0 =	simm.s32 $0x0  }
.LBB2_2:
0x1a: {  	s3 =	sshll.u32 s0, $0x3  }
0x1b: {  	s3 =	sand.u32 $0x60, s3  }
0x1c: {  	s3 =	sor.u32 s8, s3  }
0x1d: {  	p2 =	seq.s32 s3, $0x0  }
0x1e: {  	p2 =	por !p2, !p0  }
0x1f: {  	s4 =	simm.s32 $0x1;
	p2 =	por !p2, !p2  }
0x20: {  	s3 =	sshrl.u32 s3, $0x1;
	s4 =	simm.s32 @!p2 $0x0  }
0x21: {  	s3 =	ssub.s32 s3, s4  }
0x22: {  	s4 =	sshll.u32 s3, $0x6  }
0x23: {  	s4 =	sand.u32 $0x1FFFFFC0, s4  }
0x24: {  	s30 =	simm.s32 $0x0;
	s4 =	sadd.s32 s9, s4  }
0x25: {  	[tilespmem:s16], [sflag:$0x2] =	stream.linear.gather [hbm4b:s4+s30], $0x200, $0x38;
	[tilespmem:$0x7900] =	vst v63  }
0x26: {  	_ =	swait.ge [sflag:s17], $0x200  }
0x27: {  	[sflag:s17] =	ssyncset.done $0x0  }
0x28: {  	[sflag:s17] =	ssyncadd.s32 $0xFFFFFE00  }
0x29: {  	v2 =	vld [tilespmem:$0x7000]  }
0x2a: {  	v3 =	vld [tilespmem:$0x7080];
	_ =	sdelay $0x1  }
0x2b: {  	v1 =	vld [tilespmem:$0x7100];
	_ =	sdelay $0x2  }
0x2c: {  	v4 =	vmul.f32 v2, v2;
	v5 =	vmul.f32 v3, v3;
	_ =	sdelay $0x1  }
0x2d: {  	v4 =	vadd.f32 v5, v4;
	v5 =	vmul.f32 v1, v1;
	_ =	sdelay $0x1  }
0x2e: {  	v4 =	vadd.f32 v5, v4;
	_ =	sdelay $0x1  }
0x2f: {  	(erf) = vrcp.f32 v4;
	_ =	sdelay $0x3  }
0x30: {  	s4 =	sshll.u32 s0, $0x8  }
0x31: {  	s29 =	sand.u32 $0xF, s3;
	s4 =	sand.u32 $0x300, s4  }
0x32: {  	s3 =	sor.u32 s10, s4;
	s4 =	sshll.u32 s29, $0xB  }
0x33: {  	s3 =	sor.u32 s3, s4  }
0x34: {  	s4 =	sadd.s32 s2, s3  }
0x35: {  	v4 =	vld [tilespmem:$0x7180];
	[tilespmem:s18], [sflag:$0x2] =	stream.linear.gather [hbm4b:s4+s30], $0x800, $0x38;
	v5 =	vpop (erf)  }
0x36: {  	_ =	swait.ge [sflag:s17], $0x800  }
0x37: {  	[sflag:s17] =	ssyncset.done $0x0  }
0x38: {  	s4 =	sadd.s32 s3, s11;
	[sflag:s17] =	ssyncadd.s32 $0xFFFFF800  }
0x39: {  	[tilespmem:s19], [sflag:$0x2] =	stream.linear.gather [hbm4b:s4+s30], $0x800, $0x38;
	[tilespmem:$0x7900] =	vst v63  }
0x3a: {  	_ =	swait.ge [sflag:s17], $0x800  }
0x3b: {  	[sflag:s17] =	ssyncset.done $0x0  }
0x3c: {  	s3 =	sadd.s32 s3, s12;
	[sflag:s17] =	ssyncadd.s32 $0xFFFFF800  }
0x3d: {  	[tilespmem:s20], [sflag:$0x2] =	stream.linear.gather [hbm4b:s3+s30], $0x800, $0x38;
	[tilespmem:$0x7900] =	vst v63  }
0x3e: {  	_ =	swait.ge [sflag:s17], $0x800  }
0x3f: {  	[sflag:s17] =	ssyncset.done $0x0  }
0x40: {  	[sflag:s17] =	ssyncadd.s32 $0xFFFFF800  }
0x41: {  	[tilespmem:s30], [sflag:$0x1] =	stream.indirect.gather [hbm4b:s1+s21], $0x1, s18, s21, $0xb8;
	[tilespmem:$0x7900] =	vst v63  }
0x42: {  	_ = 	snop  }
0x43: {  	[tilespmem:s21], [sflag:$0x1] =	stream.indirect.gather [hbm4b:s1+s21], $0x1, s19, s21, $0xb8;
	[tilespmem:$0x7900] =	vst v63  }
0x44: {  	_ = 	snop  }
0x45: {  	[tilespmem:s22], [sflag:$0x1] =	stream.indirect.gather [hbm4b:s1+s21], $0x1, s20, s21, $0xb8;
	[tilespmem:$0x7900] =	vst v63  }
0x46: {  	_ =	swait.ge [sflag:s15], $0x800  }
0x47: {  	[sflag:s15] =	ssyncset.done $0x0  }
0x48: {  	[sflag:s15] =	ssyncadd.s32 $0xFFFFF800  }
0x49: {  	_ =	swait.ge [sflag:s15], $0x800  }
0x4a: {  	[sflag:s15] =	ssyncset.done $0x0  }
0x4b: {  	[sflag:s15] =	ssyncadd.s32 $0xFFFFF800  }
0x4c: {  	_ =	swait.ge [sflag:s15], $0x800  }
0x4d: {  	[sflag:s15] =	ssyncset.done $0x0  }
0x4e: {  	s4 =	simm.s32 $0x0;
	[sflag:s15] =	ssyncadd.s32 $0xFFFFF800  }
0x4f: {  	v10 =	vld [tilespmem:s4+$0x800]  }
0x50: {  	v9 =	vld [tilespmem:s4+$0x0];
	_ =	sdelay $0x1  }
0x51: {  	v11 =	vld [tilespmem:s4+$0x1000];
	_ =	sdelay $0x2  }
0x52: {  	v6 =	vmul.f32 v10, v3;
	v7 =	vmul.f32 v9, v2;
	_ =	sdelay $0x1  }
0x53: {  	v8 =	vmul.f32 v11, v1;
	v6 =	vadd.f32 v6, v7;
	_ =	sdelay $0x1  }
0x54: {  	v7 =	vadd.f32 v8, v6;
	_ =	sdelay $0x1  }
0x55: {  	v6 =	vadd.f32 v5, v5;
	v5 =	vadd.f32 v7, v4;
	_ =	sdelay $0x1  }
0x56: {  	v5 =	vmul.f32 v5, v6  }
0x57: {  	s3 =	simm.s32 $0x10  }
0x58: {  	v8 =	vld [tilespmem:s3+$0x0];
	v12 =	vmul.f32 v5, v2  }
0x59: {  	v7 =	vld [tilespmem:s3+$0x800];
	v13 =	vmul.f32 v5, v3  }
0x5a: {  	v12 =	vsub.f32 v9, v12  }
0x5b: {  	v5 =	vmul.f32 v5, v1;
	v9 =	vld [tilespmem:s3+$0x1000];
	v13 =	vsub.f32 v10, v13  }
0x5c: {  	v10 =	vadd.f32 $5.000000000e-01, v12  }
0x5d: {  	v15 =	vmul.f32 v8, v2;
	v11 =	vsub.f32 v11, v5;
	v5 =	vadd.f32 $5.000000000e-01, v13  }
0x5e: {  	v14 =	vmul.f32 v7, v3;
	v10 =	vmul.f32 $6.400000000e+01, v10  }
0x5f: {  	v16 =	vadd.f32 $5.000000000e-01, v11;
	v5 =	vmul.f32 $6.400000000e+01, v5  }
0x60: {  	v14 =	vadd.f32 v14, v15;
	v15 =	vmul.f32 v9, v1;
	v10 =	vmax.f32 v10, $-1.000000000e+00  }
0x61: {  	v16 =	vmul.f32 $6.400000000e+01, v16;
	v5 =	vmax.f32 v5, $-1.000000000e+00;
	v10 =	vmin.f32 v10, $6.400000000e+01  }
0x62: {  	v14 =	vadd.f32 v15, v14;
	v5 =	vmin.f32 v5, $6.400000000e+01;
	v10 =	vtrunc.f32 v10  }
0x63: {  	v15 =	vmax.f32 v16, $-1.000000000e+00;
	v5 =	vtrunc.f32 v5;
	v63 =	vcvt.f32.s32 v10  }
0x64: {  	s29 =	sshll.u32 s29, $0x12;
	[tilespmem:s4+$0x1800] =	vst v12;
	v12 =	vmin.f32 v15, $6.400000000e+01;
	v14 =	vadd.f32 v14, v4;
	v10 =	vcvt.f32.s32 v5  }
0x65: {  	[tilespmem:s4+$0x2800] =	vst v11;
	v5 =	vmov s29;
	v12 =	vtrunc.f32 v12;
	vm0 =	vgt.s32 v63, $0x0  }
0x66: {  	[tilespmem:s4+$0x2000] =	vst v13;
	s29 =	simm.s32 $0x80;
	v11 =	vmul.f32 v14, v6;
	v13 =	vnsel vm0, $0x0, v63;
	vm0 =	vgt.s32 v10, $0x0  }
.LBB2_3:
0x67: {  	s30 =	sshra.s32 s29, $0x2;
	p2 =	sne.s32 s29, $0x1FC0;
	s29 =	sadd.s32 $0x40, s29;
	v13 =	vmin.u32 v13, $0x3F;
	v10 =	vnsel vm0, $0x0, v10;
	v12 =	vcvt.f32.s32 v12  }
0x68: {  	v14 =	vld [tilespmem:s30+$0x800];
	v15 =	vmul.f32 v11, v2;
	v16 =	vmul.f32 v11, v3;
	v10 =	vmin.u32 v10, $0x3F  }
0x69: {  	v11 =	vmul.f32 v11, v1;
	v13 =	vshll.u32 v13, $0xC;
	v17 =	vld [tilespmem:s30+$0x0];
	v10 =	vshll.u32 v10, $0x6  }
0x6a: {  	vm0 =	vgt.s32 v12, $0x0;
	v18 =	vld [tilespmem:s30+$0x1000];
	v8 =	vsub.f32 v8, v15;
	v15 =	vsub.f32 v7, v16  }
0x6b: {  	v16 =	vsub.f32 v9, v11;
	v9 =	vnsel vm0, $0x0, v12;
	v10 =	vor.u32 v10, v13  }
0x6c: {  	v9 =	vmin.u32 v9, $0x3F;
	[tilespmem:s3+$0x1800] =	vst v8;
	v19 =	vadd.f32 $5.000000000e-01, v8;
	v11 =	vadd.f32 $5.000000000e-01, v15  }
0x6d: {  	v13 =	vadd.f32 $5.000000000e-01, v16;
	v20 =	vor.u32 v9, v10;
	v12 =	vmul.f32 v14, v3;
	[tilespmem:s3+$0x2800] =	vst v16;
	v7 =	vmovc v14  }
0x6e: {  	v10 =	vmul.f32 v17, v2;
	[tilespmem:s3+$0x2000] =	vst v15;
	v14 =	vmul.f32 $6.400000000e+01, v19;
	v19 =	vor.u32 v5, v20;
	v8 =	vmovc v17  }
0x6f: {  	v11 =	vmul.f32 $6.400000000e+01, v11;
	v15 =	vmul.f32 v18, v1;
	v16 =	vmul.u32 $0x3, v19;
	[tilespmem:s4+$0x4800] =	vst v19;
	v9 =	vmovc v18  }
0x70: {  	v13 =	vmul.f32 $6.400000000e+01, v13;
	v10 =	vadd.f32 v12, v10;
	v12 =	vmax.f32 v14, $-1.000000000e+00  }
0x71: {  	v11 =	vmax.f32 v11, $-1.000000000e+00;
	v12 =	vmin.f32 v12, $6.400000000e+01;
	[tilespmem:s4+$0x3000] =	vst v16;
	v14 =	vadd.s32 $0x1, v16  }
.Ltmp2:
0x72: {  	v11 =	vmin.f32 v11, $6.400000000e+01;
	v10 =	vadd.f32 v15, v10;
	v12 =	vtrunc.f32 v12;
	[tilespmem:s4+$0x3800] =	vst v14;
	(pc) =	sbr.rel @p2 .LBB2_3-.Ltmp2, $4  }
0x73: {  	v13 =	vmax.f32 v13, $-1.000000000e+00;
	v11 =	vtrunc.f32 v11;
	v14 =	vcvt.f32.s32 v12  }
0x74: {  	v12 =	vmin.f32 v13, $6.400000000e+01;
	v15 =	vadd.f32 v10, v4;
	v10 =	vcvt.f32.s32 v11  }
0x75: {  	v16 =	vadd.s32 $0x2, v16;
	v12 =	vtrunc.f32 v12;
	vm0 =	vgt.s32 v14, $0x0  }
0x76: {  	v11 =	vmul.f32 v15, v6;
	v13 =	vnsel vm0, $0x0, v14;
	vm0 =	vgt.s32 v10, $0x0;
	[tilespmem:s4+$0x4000] =	vst v16;
	s4 =	smov.u32 s3;
	s3 =	smov.u32 s30  }
0x77: {  	_ = 	snop  }
0x78: {  	v2 =	vmul.f32 v11, v2;
	v3 =	vmul.f32 v11, v3  }
0x79: {  	v6 =	vcvt.f32.s32 v12;
	v1 =	vmul.f32 v11, v1  }
0x7a: {  	v4 =	vnsel vm0, $0x0, v10;
	v2 =	vsub.f32 v8, v2;
	v3 =	vsub.f32 v7, v3  }
0x7b: {  	v4 =	vmin.u32 v4, $0x3F;
	vm13 =	vgt.s32 v6, $0x0;
	v1 =	vsub.f32 v9, v1  }
0x7c: {  	v7 =	vmin.u32 v13, $0x3F;
	v8 =	vadd.f32 $5.000000000e-01, v2;
	v58 =	vadd.f32 $5.000000000e-01, v3  }
0x7d: {  	v4 =	vshll.u32 v4, $0x6;
	v6 =	vnsel vm13, $0x0, v6;
	v7 =	vshll.u32 v7, $0xC  }
0x7e: {  	v59 =	vadd.f32 $5.000000000e-01, v1;
	v8 =	vmul.f32 $6.400000000e+01, v8;
	v9 =	vmul.f32 $6.400000000e+01, v58  }
0x7f: {  	v6 =	vmin.u32 v6, $0x3F;
	v4 =	vor.u32 v4, v7  }
0x80: {  	v7 =	vmax.f32 v8, $-1.000000000e+00;
	v8 =	vmul.f32 $6.400000000e+01, v59;
	v9 =	vmax.f32 v9, $-1.000000000e+00  }
0x81: {  	v4 =	vor.u32 v6, v4;
	v6 =	vmin.f32 v7, $6.400000000e+01;
	v7 =	vmin.f32 v9, $6.400000000e+01  }
0x82: {  	v6 =	vtrunc.f32 v6;
	v8 =	vmax.f32 v8, $-1.000000000e+00;
	v7 =	vtrunc.f32 v7  }
0x83: {  	v6 =	vcvt.f32.s32 v6;
	v8 =	vmin.f32 v8, $6.400000000e+01;
	v7 =	vcvt.f32.s32 v7  }
0x84: {  	v4 =	vor.u32 v5, v4;
	v8 =	vtrunc.f32 v8  }
0x85: {  	vm14 =	vgt.s32 v6, $0x0;
	vm1 =	vgt.s32 v7, $0x0;
	v8 =	vcvt.f32.s32 v8  }
0x86: {  	[tilespmem:s3+$0x1800] =	vst v2;
	v2 =	vmul.u32 $0x3, v4;
	v6 =	vnsel vm14, $0x0, v6;
	v7 =	vnsel vm1, $0x0, v7  }
0x87: {  	[tilespmem:s3+$0x2800] =	vst v1;
	v1 =	vmin.u32 v6, $0x3F;
	v6 =	vmin.u32 v7, $0x3F;
	vm15 =	vgt.s32 v8, $0x0  }
0x88: {  	[tilespmem:s3+$0x2000] =	vst v3;
	v1 =	vshll.u32 v1, $0xC;
	v3 =	vshll.u32 v6, $0x6;
	v6 =	vnsel vm15, $0x0, v8  }
0x89: {  	[tilespmem:s4+$0x4800] =	vst v4;
	v1 =	vor.u32 v3, v1;
	v3 =	vmin.u32 v6, $0x3F  }
0x8a: {  	[tilespmem:s4+$0x3000] =	vst v2;
	v4 =	vadd.s32 $0x1, v2;
	v1 =	vor.u32 v3, v1  }
0x8b: {  	v2 =	vadd.s32 $0x2, v2;
	[tilespmem:s4+$0x3800] =	vst v4;
	v1 =	vor.u32 v5, v1  }
0x8c: {  	[tilespmem:s4+$0x4000] =	vst v2;
	v2 =	vmul.u32 $0x3, v1  }
0x8d: {  	[tilespmem:s3+$0x4800] =	vst v1  }
0x8e: {  	[tilespmem:s3+$0x3000] =	vst v2;
	v1 =	vadd.s32 $0x1, v2  }
0x8f: {  	[tilespmem:s3+$0x3800] =	vst v1;
	v1 =	vadd.s32 $0x2, v2  }
0x90: {  	[tilespmem:s3+$0x4000] =	vst v1  }
0x91: {  	[tilespmem:s23], [sflag:$0x1] =	stream.indirect.gather [hbm4b:s5+s21], $0x1, s18, s21, $0xb8;
	[tilespmem:$0x7900] =	vst v63  }
0x92: {  	_ = 	snop  }
0x93: {  	[tilespmem:s24], [sflag:$0x1] =	stream.indirect.gather [hbm4b:s5+s21], $0x1, s19, s21, $0xb8;
	[tilespmem:$0x7900] =	vst v63  }
0x94: {  	_ = 	snop  }
0x95: {  	[tilespmem:s25], [sflag:$0x1] =	stream.indirect.gather [hbm4b:s5+s21], $0x1, s20, s21, $0xb8;
	[tilespmem:$0x7900] =	vst v63  }
0x96: {  	_ = 	snop  }
0x97: {  	[tilespmem:s28], [sflag:$0x1] =	stream.indirect.gather [hbm4b:s6+s21], $0x1, s26, s21, $0xb8;
	[tilespmem:$0x7900] =	vst v63  }
0x98: {  	_ =	swait.ge [sflag:s15], $0x800  }
0x99: {  	[sflag:s15] =	ssyncset.done $0x0  }
0x9a: {  	[sflag:s15] =	ssyncadd.s32 $0xFFFFF800  }
0x9b: {  	_ =	swait.ge [sflag:s15], $0x800  }
0x9c: {  	[sflag:s15] =	ssyncset.done $0x0  }
0x9d: {  	[sflag:s15] =	ssyncadd.s32 $0xFFFFF800  }
0x9e: {  	_ =	swait.ge [sflag:s15], $0x800  }
0x9f: {  	[sflag:s15] =	ssyncset.done $0x0  }
0xa0: {  	[sflag:s15] =	ssyncadd.s32 $0xFFFFF800  }
0xa1: {  	_ =	swait.ge [sflag:s15], $0x800  }
0xa2: {  	[sflag:s15] =	ssyncset.done $0x0  }
0xa3: {  	s4 =	simm.s32 $0x0;
	[sflag:s15] =	ssyncadd.s32 $0xFFFFF800  }
0xa4: {  	v1 =	vld [tilespmem:s4+$0x2800]  }
0xa5: {  	v2 =	vld [tilespmem:s4+$0x1800]  }
0xa6: {  	v3 =	vld [tilespmem:s4+$0x5000]  }
0xa7: {  	v4 =	vld [tilespmem:s4+$0x2000]  }
0xa8: {  	v5 =	vld [tilespmem:s4+$0x5800]  }
0xa9: {  	v6 =	vld [tilespmem:s4+$0x6000];
	_ =	sdelay $0x3  }
0xaa: {  	v2 =	vsub.f32 v2, v3;
	v3 =	vsub.f32 v4, v5  }
0xab: {  	v1 =	vsub.f32 v1, v6  }
0xac: {  	v2 =	vadd.f32 $9.999999970e-07, v2;
	v3 =	vadd.f32 $9.999999970e-07, v3;
	_ =	sdelay $0x1  }
0xad: {  	v1 =	vadd.f32 $9.999999970e-07, v1;
	v2 =	vmul.f32 v2, v2;
	v3 =	vmul.f32 v3, v3;
	_ =	sdelay $0x1  }
0xae: {  	v1 =	vmul.f32 v1, v1;
	v2 =	vadd.f32 v3, v2;
	_ =	sdelay $0x1  }
0xaf: {  	v1 =	vadd.f32 v1, v2;
	_ =	sdelay $0x1  }
0xb0: {  	v2 =	vshra.s32 v1, $0x1  }
0xb1: {  	v3 =	vmul.f32 $5.000000000e-01, v1;
	v2 =	vsub.s32 $0x5F3759DF, v2  }
0xb2: {  	s3 =	simm.s32 $0x10;
	v6 =	vld [tilespmem:s4+$0x6800];
	[tilespmem:$0x7880] =	vst v2  }
0xb3: {  	v4 =	vmul.f32 v2, v3;
	v5 =	vld [tilespmem:s3+$0x2800]  }
0xb4: {  	v7 =	vld [tilespmem:s3+$0x1800]  }
0xb5: {  	v8 =	vld [tilespmem:s3+$0x5000];
	v4 =	vmul.f32 v2, v4  }
0xb6: {  	v60 =	vld [tilespmem:s3+$0x2000]  }
0xb7: {  	v61 =	vld [tilespmem:s3+$0x5800];
	v4 =	vsub.f32 $1.500000000e+00, v4  }
0xb8: {  	v62 =	vld [tilespmem:s3+$0x6000]  }
0xb9: {  	v2 =	vmul.f32 v2, v4;
	_ =	sdelay $0x1  }
0xba: {  	v4 =	vmul.f32 v2, v3  }
0xbb: {  	v7 =	vsub.f32 v7, v8;
	v8 =	vsub.f32 v60, v61  }
0xbc: {  	v5 =	vsub.f32 v5, v62;
	v4 =	vmul.f32 v4, v2  }
0xbd: {  	v7 =	vadd.f32 $9.999999970e-07, v7;
	v8 =	vadd.f32 $9.999999970e-07, v8  }
0xbe: {  	v4 =	vsub.f32 $1.500000000e+00, v4  }
0xbf: {  	v63 =	vadd.f32 $9.999999970e-07, v5;
	v7 =	vmul.f32 v7, v7;
	v8 =	vmul.f32 v8, v8  }
0xc0: {  	v5 =	vmul.f32 v4, v2  }
0xc1: {  	v2 =	vadd.f32 v8, v7;
	v4 =	vmul.f32 v63, v63  }
0xc2: {  	v3 =	vmul.f32 v5, v3  }
0xc3: {  	v4 =	vadd.f32 v4, v2  }
0xc4: {  	v2 =	vsub.f32 $1.000000000e+00, v6;
	v6 =	vmul.f32 v3, v5  }
0xc5: {  	s29 =	simm.s32 $0x80;
	s30 =	simm.s32 $0x100;
	s4 =	simm.s32 $0xC0;
	v7 =	vshra.s32 v4, $0x1;
	v3 =	vmul.f32 $5.000000000e-01, v4  }
.LBB2_5:
0xc6: {  	p2 =	sne.s32 s30, $0x1FC0;
	v7 =	vsub.s32 $0x5F3759DF, v7;
	v6 =	vsub.f32 $1.500000000e+00, v6  }
0xc7: {  	v8 =	vld [tilespmem:s3+$0x6800];
	s3 =	sshra.s32 s29, $0x2;
	[tilespmem:$0x7880] =	vst v7;
	v9 =	vmul.f32 v7, v3;
	s29 =	smov.u32 s4;
	s4 =	smov.u32 s30  }
0xc8: {  	v10 =	vld [tilespmem:s3+$0x2800];
	v5 =	vmul.f32 v6, v5  }
0xc9: {  	v6 =	vld [tilespmem:s3+$0x1800];
	v9 =	vmul.f32 v7, v9  }
0xca: {  	v11 =	vld [tilespmem:s3+$0x5000];
	v5 =	vmul.f32 v5, v1;
	v1 =	vmov v4  }
0xcb: {  	v4 =	vld [tilespmem:s3+$0x2000];
	v9 =	vsub.f32 $1.500000000e+00, v9  }
0xcc: {  	v12 =	vld [tilespmem:s3+$0x5800];
	v5 =	vmul.f32 v5, v2;
	v2 =	vsub.f32 $1.000000000e+00, v8  }
0xcd: {  	v8 =	vld [tilespmem:s3+$0x6000];
	v7 =	vmul.f32 v7, v9  }
0xce: {  	v0 =	vadd.f32 v5, v0  }
0xcf: {  	v5 =	vmul.f32 v7, v3;
	_ =	sdelay $0x1  }
0xd0: {  	v6 =	vsub.f32 v6, v11;
	v4 =	vsub.f32 v4, v12;
	v5 =	vmul.f32 v5, v7  }
0xd1: {  	v8 =	vsub.f32 v10, v8  }
0xd2: {  	v6 =	vadd.f32 $9.999999970e-07, v6;
	v4 =	vadd.f32 $9.999999970e-07, v4  }
0xd3: {  	v5 =	vsub.f32 $1.500000000e+00, v5  }
0xd4: {  	v6 =	vmul.f32 v6, v6;
	v8 =	vadd.f32 $9.999999970e-07, v8;
	v4 =	vmul.f32 v4, v4  }
0xd5: {  	v5 =	vmul.f32 v5, v7  }
.Ltmp3:
0xd6: {  	v4 =	vadd.f32 v4, v6;
	v6 =	vmul.f32 v8, v8;
	(pc) =	sbr.rel @p2 .LBB2_5-.Ltmp3, $4  }
0xd7: {  	v3 =	vmul.f32 v5, v3  }
0xd8: {  	v4 =	vadd.f32 v6, v4  }
0xd9: {  	v6 =	vmul.f32 v3, v5  }
0xda: {  	s30 =	sadd.s32 $0x40, s30;
	v7 =	vshra.s32 v4, $0x1;
	v3 =	vmul.f32 $5.000000000e-01, v4  }
0xdb: {  	v7 =	vsub.s32 $0x5F3759DF, v7  }
0xdc: {  	v8 =	vld [tilespmem:s3+$0x6800];
	s29 =	sshra.s32 s29, $0x2;
	[tilespmem:$0x7880] =	vst v7  }
0xdd: {  	v9 =	vld [tilespmem:s29+$0x2800]  }
0xde: {  	v10 =	vld [tilespmem:s29+$0x1800]  }
0xdf: {  	v11 =	vld [tilespmem:s29+$0x5000]  }
0xe0: {  	v12 =	vld [tilespmem:s29+$0x2000]  }
0xe1: {  	v13 =	vld [tilespmem:s29+$0x5800]  }
0xe2: {  	v14 =	vld [tilespmem:s29+$0x6000];
	_ =	sdelay $0x3  }
0xe3: {  	v10 =	vsub.f32 v10, v11;
	v36 =	vsub.f32 v12, v13  }
0xe4: {  	v9 =	vsub.f32 v9, v14  }
0xe5: {  	v10 =	vadd.f32 $9.999999970e-07, v10;
	v11 =	vadd.f32 $9.999999970e-07, v36;
	_ =	sdelay $0x1  }
0xe6: {  	v9 =	vadd.f32 $9.999999970e-07, v9;
	v10 =	vmul.f32 v10, v10;
	v11 =	vmul.f32 v11, v11;
	_ =	sdelay $0x1  }
0xe7: {  	v9 =	vmul.f32 v9, v9;
	v10 =	vadd.f32 v11, v10;
	_ =	sdelay $0x1  }
0xe8: {  	v9 =	vadd.f32 v9, v10;
	_ =	sdelay $0x1  }
0xe9: {  	v10 =	vshra.s32 v9, $0x1  }
0xea: {  	v10 =	vsub.s32 $0x5F3759DF, v10  }
0xeb: {  	s30 =	sshra.s32 s4, $0x2;
	v37 =	vld [tilespmem:s29+$0x6800];
	[tilespmem:$0x7880] =	vst v10  }
0xec: {  	v38 =	vld [tilespmem:s30+$0x2800]  }
0xed: {  	v39 =	vld [tilespmem:s30+$0x1800]  }
0xee: {  	v40 =	vld [tilespmem:s30+$0x5000]  }
0xef: {  	v15 =	vld [tilespmem:s30+$0x2000]  }
0xf0: {  	v16 =	vld [tilespmem:s30+$0x5800]  }
0xf1: {  	v17 =	vld [tilespmem:s30+$0x6000];
	_ =	sdelay $0x3  }
0xf2: {  	v13 =	vsub.f32 v39, v40;
	v41 =	vsub.f32 v15, v16  }
0xf3: {  	v12 =	vsub.f32 v38, v17  }
0xf4: {  	v13 =	vadd.f32 $9.999999970e-07, v13;
	v14 =	vadd.f32 $9.999999970e-07, v41;
	_ =	sdelay $0x1  }
0xf5: {  	v12 =	vadd.f32 $9.999999970e-07, v12;
	v13 =	vmul.f32 v13, v13;
	v14 =	vmul.f32 v14, v14;
	_ =	sdelay $0x1  }
0xf6: {  	v12 =	vmul.f32 v12, v12;
	v13 =	vadd.f32 v14, v13  }
0xf7: {  	v42 =	vmul.f32 v7, v3  }
0xf8: {  	v43 =	vmul.f32 $5.000000000e-01, v9;
	v12 =	vadd.f32 v12, v13  }
0xf9: {  	v44 =	vmul.f32 v7, v42  }
0xfa: {  	v45 =	vmul.f32 v10, v43;
	v46 =	vshra.s32 v12, $0x1;
	v47 =	vmul.f32 $5.000000000e-01, v12  }
0xfb: {  	v13 =	vsub.f32 $1.500000000e+00, v44;
	v16 =	vsub.s32 $0x5F3759DF, v46  }
0xfc: {  	v14 =	vmul.f32 v10, v45;
	v18 =	vmul.f32 v16, v47  }
0xfd: {  	v7 =	vmul.f32 v7, v13  }
0xfe: {  	v48 =	vsub.f32 $1.500000000e+00, v14;
	v49 =	vmul.f32 v16, v18  }
0xff: {  	v50 =	vmul.f32 v7, v3  }
0x100: {  	v10 =	vmul.f32 v10, v48;
	v51 =	vsub.f32 $1.500000000e+00, v49  }
0x101: {  	v52 =	vmul.f32 v50, v7  }
0x102: {  	v53 =	vmul.f32 v10, v43;
	v13 =	vmul.f32 v16, v51  }
0x103: {  	v14 =	vsub.f32 $1.500000000e+00, v52  }
0x104: {  	v18 =	vmul.f32 v53, v10;
	v19 =	vmul.f32 v13, v47  }
0x105: {  	v7 =	vmul.f32 v14, v7  }
0x106: {  	v54 =	vsub.f32 $1.500000000e+00, v18;
	v55 =	vmul.f32 v19, v13  }
0x107: {  	v3 =	vmul.f32 v7, v3  }
0x108: {  	v10 =	vmul.f32 v54, v10;
	v56 =	vsub.f32 $1.500000000e+00, v55  }
0x109: {  	v6 =	vsub.f32 $1.500000000e+00, v6;
	v3 =	vmul.f32 v3, v7  }
0x10a: {  	v57 =	vmul.f32 v10, v43;
	v13 =	vmul.f32 v56, v13  }
0x10b: {  	v5 =	vmul.f32 v6, v5;
	v3 =	vsub.f32 $1.500000000e+00, v3  }
0x10c: {  	v58 =	vmul.f32 v57, v10;
	v59 =	vmul.f32 v13, v47  }
0x10d: {  	v1 =	vmul.f32 v5, v1;
	v3 =	vmul.f32 v3, v7  }
0x10e: {  	v60 =	vsub.f32 $1.500000000e+00, v58;
	v61 =	vmul.f32 v59, v13  }
0x10f: {  	v1 =	vmul.f32 v1, v2;
	v2 =	vsub.f32 $1.000000000e+00, v8;
	v62 =	vld [tilespmem:s30+$0x6800];
	v3 =	vmul.f32 v3, v4  }
0x110: {  	v5 =	vmul.f32 v60, v10;
	v6 =	vsub.f32 $1.500000000e+00, v61  }
0x111: {  	v0 =	vadd.f32 v1, v0;
	v1 =	vmul.f32 v3, v2  }
0x112: {  	v2 =	vsub.f32 $1.000000000e+00, v37;
	v3 =	vmul.f32 v5, v9;
	v63 =	vmul.f32 v6, v13  }
0x113: {  	s0 =	sadd.s32 $0x1, s0;
	v0 =	vadd.f32 v1, v0  }
0x114: {  	p2 =	sne.s32 s0, $0xC;
	v1 =	vsub.f32 $1.000000000e+00, v62;
	v2 =	vmul.f32 v3, v2;
	v3 =	vmul.f32 v63, v12  }
.Ltmp4:
0x115: {  	_ = 	snop;
	(pc) =	sbr.rel @p2 .LBB2_2-.Ltmp4, $3  }
0x116: {  	v0 =	vadd.f32 v2, v0;
	v1 =	vmul.f32 v3, v1;
	_ =	sdelay $0x1  }
0x117: {  	v0 =	vadd.f32 v1, v0  }
0x118: {  	[tilespmem:$0x7880] =	vst v16  }
.Ltmp5:
0x119: {  	(pc) =	sbr.rel @p1 .LBB2_9-.Ltmp5, $1  }
0x11a: {  	_ =	sdelay $0x3  }
0x11b: {  	s0 =	rddreg [dreg:$0x3];
	s3 =	simm.s32 $0x7200  }
0x11c: {  	[tilespmem:s3], [sflag:$0x2] =	stream.linear.gather [hbm4b:s0+s7], $0x600, $0x38;
	[tilespmem:$0x7900] =	vst v63  }
0x11d: {  	_ =	swait.ge [sflag:s17], $0x600  }
0x11e: {  	[sflag:s17] =	ssyncset.done $0x0  }
0x11f: {  	[sflag:s17] =	ssyncadd.s32 $0xFFFFFA00  }
0x120: {  	v1 =	vld [tilespmem:$0x7200]  }
0x121: {  	v2 =	vld [tilespmem:$0x7280]  }
0x122: {  	v3 =	vld [tilespmem:$0x7300]  }
0x123: {  	v4 =	vld [tilespmem:$0x7400]  }
0x124: {  	v5 =	vld [tilespmem:$0x7480]  }
0x125: {  	v8 =	vld [tilespmem:$0x7600]  }
0x126: {  	v9 =	vld [tilespmem:$0x7680]  }
0x127: {  	v6 =	vld [tilespmem:$0x7500]  }
0x128: {  	v12 =	vld [tilespmem:$0x7700];
	v1 =	vmul.f32 v1, v1;
	v7 =	vmul.f32 v2, v2  }
0x129: {  	v10 =	vmul.f32 v3, v3  }
0x12a: {  	v11 =	vmul.f32 v4, v4;
	v5 =	vmul.f32 v5, v5;
	v7 =	vadd.f32 v7, v1  }
0x12b: {  	v50 =	vmul.f32 v8, v8;
	v13 =	vmul.f32 v9, v9  }
0x12c: {  	v49 =	vmul.f32 v6, v6;
	v48 =	vadd.f32 v5, v11;
	v7 =	vadd.f32 v10, v7  }
0x12d: {  	v53 =	vmul.f32 v12, v12;
	v52 =	vadd.f32 v13, v50  }
0x12e: {  	v10 =	vadd.f32 v49, v48;
	v7 =	vmax.f32 v7, $1.000000020e-24  }
0x12f: {  	v54 =	vadd.f32 v53, v52;
	(erf) = vrcp.f32 v7  }
0x130: {  	v51 =	vmax.f32 v10, $1.000000020e-24  }
0x131: {  	v7 =	vmax.f32 v54, $1.000000020e-24;
	(erf) = vrcp.f32 v51  }
0x132: {  	(erf) = vrcp.f32 v7;
	_ =	sdelay $0x3  }
0x133: {  	v2 =	vmul.f32 v4, v2  }
0x134: {  	v3 =	vmul.f32 v8, v3  }
0x135: {  	v56 =	vadd.f32 v2, v2;
	v55 =	vpop (erf)  }
0x136: {  	v59 =	vadd.f32 v3, v3;
	v1 =	vmul.f32 v55, v1  }
0x137: {  	v6 =	vmul.f32 v9, v6;
	v2 =	vmul.f32 v56, v2;
	v57 =	vpop (erf)  }
0x138: {  	v3 =	vmul.f32 v59, v3;
	v58 =	vmul.f32 v57, v55;
	v60 =	vpop (erf);
	v1 =	vadd.f32 $-1.000000000e+00, v1  }
0x139: {  	v5 =	vmul.f32 v57, v5;
	v4 =	vmul.f32 v60, v55  }
0x13a: {  	v2 =	vmul.f32 v58, v2;
	v1 =	vmul.f32 v1, v1  }
0x13b: {  	v61 =	vadd.f32 v6, v6  }
0x13c: {  	v5 =	vadd.f32 $-1.000000000e+00, v5;
	v1 =	vadd.f32 v2, v1;
	v2 =	vmul.f32 v4, v3  }
0x13d: {  	v62 =	vmul.f32 v61, v6;
	v63 =	vmul.f32 v60, v53  }
0x13e: {  	v3 =	vmul.f32 v5, v5;
	v1 =	vadd.f32 v2, v1;
	v2 =	vmul.f32 v60, v57;
	_ =	sdelay $0x1  }
0x13f: {  	v1 =	vadd.f32 v1, v3;
	v2 =	vmul.f32 v2, v62;
	v3 =	vadd.f32 $-1.000000000e+00, v63;
	_ =	sdelay $0x1  }
0x140: {  	v1 =	vadd.f32 v1, v2;
	v2 =	vmul.f32 v3, v3;
	_ =	sdelay $0x1  }
0x141: {  	v1 =	vadd.f32 v1, v2  }
.Ltmp6:
0x142: {  	_ = 	snop;
	(pc) =	sbr.rel .LBB2_9-.Ltmp6, $2  }
0x143: {  	v1 =	vmul.f32 $2.500000000e+01, v1;
	_ =	sdelay $0x1  }
0x144: {  	v0 =	vadd.f32 v1, v0;
	_ =	sdelay $0x1  }
.LBB2_10:
0x145: {  	_ =	sfence.sel $0x180000  }
0x146: {  	[bflag:$0x0] =	sbarrier.arrive $0xFFFF  }
0x147: {  	_ =	strace $0x90000047  }
0x148: {  	s0 =	stileid.u32;
	[bflag:$0x2] =	sbarrier.arrive $0xFFFF  }
0x149: {  	p0 =	sne.s32 s0, $0x0;
	s0 =	rddreg [dreg:$0x6]  }
0x14a: {  	s0 =	sadd.s32 @!p0 $0x100000, s0  }
0x14b: {  	[sflag:s0] =	ssyncadd.tile.s32 @!p0 $0x1;
	_ =	shalt  }
.Lfunc_end2:
_tile_overlayer_lowered:
.L_overlay_start_2:
0x14c: {  	(tag) =	ssettag $0x2  }
0x14d: {  	s0 =	rddreg [dreg:$0x0];
	s2 =	stileid.u32  }
0x14e: {  	s1 =	rddreg [dreg:$0x1];
	p0 =	sne.s32 s2, $0x0  }
0x14f: {  	s3 =	rddreg [dreg:$0x2];
	[bflag:$0x3] =	sbarrier.arrive $0xFFFF;
	s2 =	simm.s32 @!p0 $0x1C02  }
0x150: {  	[timem:s3], [sflag:s2] =	dma.local @!p0 [hbm:s0], s1  }
0x151: {  	s0 =	simm.s32 @!p0 $0x2  }
0x152: {  	_ =	swait.ge @!p0 [sflag:s0], s1  }
0x153: {  	s1 =	ssub.s32 @!p0 $0x0, s1;
	[sflag:s0] =	ssyncset.done @!p0 $0x0  }
0x154: {  	[sflag:s0] =	ssyncadd.s32 @!p0 s1  }
0x155: {  	[bflag:$0x3] =	sbarrier.arrive $0xFFFF  }
0x156: {  	_ =	shalt  }

</sc_bundles>
